<compile_context>
chip_gen: v7x
topology: tpu7x:2x2x1
jax: 0.10.2.dev20260603
libtpu: 0.0.44.dev20260713+nightly
codegen_flags: <defaults>
</compile_context>

<pallas_src>
import functools

import jax
import jax.numpy as jnp
from jax import lax
from jax.experimental import pallas as pl
from jax.experimental.pallas import tpu as pltpu
from jax.experimental.pallas import tpu_sc as plsc

H = 512
W = 512
C = 3
N = H * W
NC = 2
NS = 16
NW = NC * NS
L = 16
CHUNK = N // NW
VPI = CHUNK // L
BANDSHIFT = 13
OVBLK = 1024
NOVBLK = CHUNK // OVBLK
BIG = 1e30


@functools.lru_cache(maxsize=None)
def _mesh():
    return plsc.VectorSubcoreMesh(
        core_axis_name="c", subcore_axis_name="s",
        num_cores=NC, num_subcores=NS)


def _worker_id():
    return lax.axis_index("s") * NC + lax.axis_index("c")


def _round_nearest_even(v):
    vh = jnp.clip(v + 0.5, -1.0e6, 1.0e6)
    t = vh.astype(jnp.int32)
    r = jnp.where(vh < t.astype(jnp.float32), t - 1, t)
    tie = vh == r.astype(jnp.float32)
    odd = lax.bitwise_and(r, 1) == 1
    return jnp.where(tie & odd, r - 1, r)


def _splat_body(flow_hbm, depth_hbm, img_hbm,
                idx_hbm, d_hbm, cnt_hbm, ovt_hbm, ovd_hbm, ovr_hbm, ovg_hbm,
                ovb_hbm,
                fbuf, dbuf, gbuf, ibuf, obuf, tvb, dvb, rvb, gvb, bvb):
    wid = _worker_id()
    base = wid * CHUNK
    pltpu.sync_copy(flow_hbm.at[pl.ds(base * 2, CHUNK * 2)], fbuf)
    pltpu.sync_copy(depth_hbm.at[pl.ds(base, CHUNK)], dbuf)
    pltpu.sync_copy(img_hbm.at[pl.ds(base * C, CHUNK * C)], gbuf)
    lanes = lax.iota(jnp.int32, L)

    def body(j, cur):
        p = base + j * L + lanes
        y = lax.shift_right_logical(p, 9)
        x = lax.bitwise_and(p, W - 1)
        g = j * (2 * L) + lanes * 2
        fx = plsc.load_gather(fbuf, [g])
        fy = plsc.load_gather(fbuf, [g + 1])
        tx = _round_nearest_even(x.astype(jnp.float32) + fx)
        ty = _round_nearest_even(y.astype(jnp.float32) + fy)
        valid = (tx >= 0) & (tx < W) & (ty >= 0) & (ty < H)
        tidx = jnp.where(valid, ty * W + tx, N)
        dd = jnp.where(valid, dbuf[pl.ds(j * L, L)], BIG)
        ibuf[pl.ds(j * L, L)] = tidx
        obuf[pl.ds(j * L, L)] = dd
        band = lax.shift_right_logical(tidx, BANDSHIFT)
        ovf = valid & ((band + 1 < wid) | (band > wid + 1))
        ncnt = jnp.sum(ovf.astype(jnp.int32))

        @pl.when(jnp.any(ovf))
        def _():
            pos = cur + plsc.cumsum(ovf.astype(jnp.int32)) - 1
            plsc.store_scatter(tvb, [pos], tidx, mask=ovf)
            plsc.store_scatter(dvb, [pos], dd, mask=ovf)
            gi = (j * L + lanes) * C
            for ch, vb in ((0, rvb), (1, gvb), (2, bvb)):
                v = plsc.load_gather(gbuf, [gi + ch], mask=ovf)
                plsc.store_scatter(vb, [pos], v, mask=ovf)

        return cur + ncnt

    cur = lax.fori_loop(0, VPI, body, jnp.int32(0))
    pltpu.sync_copy(ibuf, idx_hbm.at[pl.ds(base, CHUNK)])
    pltpu.sync_copy(obuf, d_hbm.at[pl.ds(base, CHUNK)])
    ibuf[pl.ds(0, L)] = jnp.zeros((L,), jnp.int32) + cur
    pltpu.sync_copy(ibuf.at[pl.ds(0, L)], cnt_hbm.at[pl.ds(wid * L, L)])

    def wr(b, carry):
        @pl.when(b * OVBLK < cur)
        def _():
            off = b * OVBLK
            for vb, hb in ((tvb, ovt_hbm), (dvb, ovd_hbm), (rvb, ovr_hbm),
                           (gvb, ovg_hbm), (bvb, ovb_hbm)):
                pltpu.sync_copy(vb.at[pl.ds(off, OVBLK)],
                                hb.at[pl.ds(base + off, OVBLK)])
        return carry

    lax.fori_loop(0, NOVBLK, wr, 0)


@functools.lru_cache(maxsize=None)
def _pass_a():
    return pl.kernel(
        _splat_body,
        mesh=_mesh(),
        out_type=[
            jax.ShapeDtypeStruct((N,), jnp.int32),
            jax.ShapeDtypeStruct((N,), jnp.float32),
            jax.ShapeDtypeStruct((NW * L,), jnp.int32),
            jax.ShapeDtypeStruct((N,), jnp.int32),
            jax.ShapeDtypeStruct((N,), jnp.float32),
            jax.ShapeDtypeStruct((N,), jnp.float32),
            jax.ShapeDtypeStruct((N,), jnp.float32),
            jax.ShapeDtypeStruct((N,), jnp.float32),
        ],
        scratch_types=[
            pltpu.VMEM((2 * CHUNK,), jnp.float32),
            pltpu.VMEM((CHUNK,), jnp.float32),
            pltpu.VMEM((CHUNK * C,), jnp.float32),
            pltpu.VMEM((CHUNK,), jnp.int32),
            pltpu.VMEM((CHUNK,), jnp.float32),
            pltpu.VMEM((CHUNK,), jnp.int32),
            pltpu.VMEM((CHUNK,), jnp.float32),
            pltpu.VMEM((CHUNK,), jnp.float32),
            pltpu.VMEM((CHUNK,), jnp.float32),
            pltpu.VMEM((CHUNK,), jnp.float32),
        ],
        compiler_params=pltpu.CompilerParams(needs_layout_passes=False),
    )


def _zbuf_body(idx_hbm, d_hbm, img_hbm, cnt_hbm, ovt_hbm, ovd_hbm, ovr_hbm,
               ovg_hbm, ovb_hbm, out_hbm,
               zbuf, oslab, cbuf, icbuf, dcbuf, gbuf):
    wid = _worker_id()
    tbase = wid * CHUNK
    tend = tbase + CHUNK
    lanes = lax.iota(jnp.int32, L)

    pltpu.sync_copy(cnt_hbm, cbuf)

    def initz(j, carry):
        zbuf[pl.ds(j * L, L)] = jnp.full((L,), BIG, jnp.float32)
        return carry

    lax.fori_loop(0, CHUNK // L, initz, 0)

    def inito(j, carry):
        oslab[pl.ds(j * L, L)] = jnp.zeros((L,), jnp.float32)
        return carry

    lax.fori_loop(0, CHUNK * C // L, inito, 0)

    def _zupdate(ti, dd, m):
        @pl.when(jnp.any(m))
        def _():
            loc = lax.bitwise_and(ti - tbase, CHUNK - 1)
            cur = plsc.load_gather(zbuf, [loc], mask=m)
            win = m & (dd < cur)

            def wbody(w):
                plsc.store_scatter(zbuf, [loc], dd, mask=w)
                cur2 = plsc.load_gather(zbuf, [loc], mask=w)
                return w & (dd < cur2)

            lax.while_loop(lambda w: jnp.any(w), wbody, win)

    def _vscatter(ti, dd, m, gidx, src_ref):
        @pl.when(jnp.any(m))
        def _():
            loc = lax.bitwise_and(ti - tbase, CHUNK - 1)
            cur = plsc.load_gather(zbuf, [loc], mask=m)
            winm = m & (dd == cur)

            @pl.when(jnp.any(winm))
            def _():
                loc3 = loc * C
                for ch in range(C):
                    v = plsc.load_gather(src_ref, [gidx + ch], mask=winm)
                    plsc.store_scatter(oslab, [loc3 + ch], v, mask=winm)

    def near1(off, carry):
        sb = wid + off - 1

        @pl.when((sb >= 0) & (sb < NW))
        def _():
            pltpu.sync_copy(idx_hbm.at[pl.ds(sb * CHUNK, CHUNK)], icbuf)
            pltpu.sync_copy(d_hbm.at[pl.ds(sb * CHUNK, CHUNK)], dcbuf)

            def it(j, cc):
                ti = icbuf[pl.ds(j * L, L)]
                m = (ti >= tbase) & (ti < tend)
                _zupdate(ti, dcbuf[pl.ds(j * L, L)], m)
                return cc

            lax.fori_loop(0, VPI, it, 0)

        return carry

    lax.fori_loop(0, 3, near1, 0)

    def _ovcnt(seg):
        return jnp.max(cbuf[pl.ds(seg * L, L)])

    def ov1(seg, carry):
        cnt = _ovcnt(seg)

        def blk(b, cc):
            @pl.when(b * OVBLK < cnt)
            def _():
                sbase = seg * CHUNK + b * OVBLK
                pltpu.sync_copy(ovt_hbm.at[pl.ds(sbase, OVBLK)],
                                icbuf.at[pl.ds(0, OVBLK)])
                pltpu.sync_copy(ovd_hbm.at[pl.ds(sbase, OVBLK)],
                                dcbuf.at[pl.ds(0, OVBLK)])

                def it(j, c2):
                    ti = icbuf[pl.ds(j * L, L)]
                    posm = (b * OVBLK + j * L + lanes) < cnt
                    m = posm & (ti >= tbase) & (ti < tend)
                    _zupdate(ti, dcbuf[pl.ds(j * L, L)], m)
                    return c2

                lax.fori_loop(0, OVBLK // L, it, 0)

            return cc

        lax.fori_loop(0, NOVBLK, blk, 0)
        return carry

    lax.fori_loop(0, NW, ov1, 0)

    def near2(off, carry):
        sb = wid + off - 1

        @pl.when((sb >= 0) & (sb < NW))
        def _():
            pltpu.sync_copy(idx_hbm.at[pl.ds(sb * CHUNK, CHUNK)], icbuf)
            pltpu.sync_copy(d_hbm.at[pl.ds(sb * CHUNK, CHUNK)], dcbuf)
            pltpu.sync_copy(img_hbm.at[pl.ds(sb * CHUNK * C, CHUNK * C)], gbuf)

            def it(j, cc):
                ti = icbuf[pl.ds(j * L, L)]
                m = (ti >= tbase) & (ti < tend)
                _vscatter(ti, dcbuf[pl.ds(j * L, L)], m,
                          (j * L + lanes) * C, gbuf)
                return cc

            lax.fori_loop(0, VPI, it, 0)

        return carry

    lax.fori_loop(0, 3, near2, 0)

    def ov2(seg, carry):
        cnt = _ovcnt(seg)

        def blk(b, cc):
            @pl.when(b * OVBLK < cnt)
            def _():
                sbase = seg * CHUNK + b * OVBLK
                pltpu.sync_copy(ovt_hbm.at[pl.ds(sbase, OVBLK)],
                                icbuf.at[pl.ds(0, OVBLK)])
                pltpu.sync_copy(ovd_hbm.at[pl.ds(sbase, OVBLK)],
                                dcbuf.at[pl.ds(0, OVBLK)])
                pltpu.sync_copy(ovr_hbm.at[pl.ds(sbase, OVBLK)],
                                gbuf.at[pl.ds(0, OVBLK)])
                pltpu.sync_copy(ovg_hbm.at[pl.ds(sbase, OVBLK)],
                                gbuf.at[pl.ds(OVBLK, OVBLK)])
                pltpu.sync_copy(ovb_hbm.at[pl.ds(sbase, OVBLK)],
                                gbuf.at[pl.ds(2 * OVBLK, OVBLK)])

                def it(j, c2):
                    ti = icbuf[pl.ds(j * L, L)]
                    dd = dcbuf[pl.ds(j * L, L)]
                    posm = (b * OVBLK + j * L + lanes) < cnt
                    m = posm & (ti >= tbase) & (ti < tend)

                    @pl.when(jnp.any(m))
                    def _():
                        loc = lax.bitwise_and(ti - tbase, CHUNK - 1)
                        cur = plsc.load_gather(zbuf, [loc], mask=m)
                        winm = m & (dd == cur)

                        @pl.when(jnp.any(winm))
                        def _():
                            loc3 = loc * C
                            e = j * L + lanes
                            for ch in range(C):
                                v = plsc.load_gather(
                                    gbuf, [ch * OVBLK + e], mask=winm)
                                plsc.store_scatter(
                                    oslab, [loc3 + ch], v, mask=winm)

                    return c2

                lax.fori_loop(0, OVBLK // L, it, 0)

            return cc

        lax.fori_loop(0, NOVBLK, blk, 0)
        return carry

    lax.fori_loop(0, NW, ov2, 0)

    pltpu.sync_copy(oslab, out_hbm.at[pl.ds(tbase * C, CHUNK * C)])


@functools.lru_cache(maxsize=None)
def _pass_b():
    return pl.kernel(
        _zbuf_body,
        mesh=_mesh(),
        out_type=jax.ShapeDtypeStruct((N * C,), jnp.float32),
        scratch_types=[
            pltpu.VMEM((CHUNK,), jnp.float32),
            pltpu.VMEM((CHUNK * C,), jnp.float32),
            pltpu.VMEM((NW * L,), jnp.int32),
            pltpu.VMEM((CHUNK,), jnp.int32),
            pltpu.VMEM((CHUNK,), jnp.float32),
            pltpu.VMEM((CHUNK * C,), jnp.float32),
        ],
        compiler_params=pltpu.CompilerParams(needs_layout_passes=False),
    )


def kernel(img, flow, depth):
    flow_flat = flow.reshape(-1)
    depth_flat = depth.reshape(-1)
    img_flat = img.reshape(-1)
    tidx, d, cnt, ovt, ovd, ovr, ovg, ovb = _pass_a()(
        flow_flat, depth_flat, img_flat)
    out_flat = _pass_b()(tidx, d, img_flat, cnt, ovt, ovd, ovr, ovg, ovb)
    return out_flat.reshape(H, W, C)

# --- scband reference (transcript-rebuilt; emitter-appended) ---
"""Pipeline reference for scband-resample2d-67516885893239 (READ-ONLY COPY).

The authoritative reference and input builder live on the scoring server;
editing this copy changes nothing except your own understanding.
"""

import jax, jax.numpy as jnp
import numpy as np

H, W, C = 512, 512, 3

def setup_inputs(seed: int = 0) -> dict:
    key = jax.random.key(seed)
    k1, k2, k3 = jax.random.split(key, 3)
    img = jax.random.normal(k1, (H, W, C), dtype=jnp.float32)
    flow = jax.random.normal(k2, (1, H, W, 2), dtype=jnp.float32)
    depth = jax.random.uniform(k3, (H, W), dtype=jnp.float32)
    return {"img": img, "flow": flow, "depth": depth}

def reference(img, flow, depth):
    # Forward warping (splatting) with depth-based z-buffering, kernel_size=1.
    # Each source pixel (y, x) is scattered to (y + flow_y, x + flow_x) rounded
    # to the nearest integer; when multiple sources land on the same target
    # pixel, the one with the smallest depth (closest) wins. Pixels with no
    # splat remain zero (matching np.zeros_like(img) initialization).
    f = flow[0]  # [H, W, 2]
    h, w, c = img.shape
    ys, xs = jnp.meshgrid(jnp.arange(h), jnp.arange(w), indexing='ij')
    tx = jnp.round(xs.astype(f.dtype) + f[..., 0]).astype(jnp.int32)
    ty = jnp.round(ys.astype(f.dtype) + f[..., 1]).astype(jnp.int32)
    valid = (tx >= 0) & (tx < w) & (ty >= 0) & (ty < h)
    # invalid splats go to a dummy slot h*w and are discarded afterwards
    idx = jnp.where(valid, ty * w + tx, h * w).reshape(-1)
    d = jnp.where(valid, depth, jnp.inf).reshape(-1)
    vals = img.reshape(-1, c)
    # sort splats by depth descending (farthest first); scatter-overwrite so
    # the closest (written last) wins -> z-buffer semantics
    order = jnp.argsort(-d)
    out = jnp.zeros((h * w + 1, c), dtype=img.dtype)
    out = out.at[idx[order]].set(vals[order])
    return out[:h * w].reshape(h, w, c)

if __name__ == "__main__":
    import jax
    _d = setup_inputs()
    print(jax.jit(kernel)(*tuple(_d.values())))

</pallas_src>

<mosaic_0001>
#map = affine_map<(d0, d1) -> (0)>
module attributes {stable_mosaic.version = 14 : i64} {
  func.func @_splat_body(%arg0: i32, %arg1: i32, %arg2: memref<524288xf32, #tpu.memory_space<hbm>>, %arg3: memref<262144xf32, #tpu.memory_space<hbm>>, %arg4: memref<786432xf32, #tpu.memory_space<hbm>>, %arg5: memref<262144xi32, #tpu.memory_space<hbm>>, %arg6: memref<262144xf32, #tpu.memory_space<hbm>>, %arg7: memref<512xi32, #tpu.memory_space<hbm>>, %arg8: memref<262144xi32, #tpu.memory_space<hbm>>, %arg9: memref<262144xf32, #tpu.memory_space<hbm>>, %arg10: memref<262144xf32, #tpu.memory_space<hbm>>, %arg11: memref<262144xf32, #tpu.memory_space<hbm>>, %arg12: memref<262144xf32, #tpu.memory_space<hbm>>, %arg13: memref<16384xf32, #tpu.memory_space<vmem>>, %arg14: memref<8192xf32, #tpu.memory_space<vmem>>, %arg15: memref<24576xf32, #tpu.memory_space<vmem>>, %arg16: memref<8192xi32, #tpu.memory_space<vmem>>, %arg17: memref<8192xf32, #tpu.memory_space<vmem>>, %arg18: memref<8192xi32, #tpu.memory_space<vmem>>, %arg19: memref<8192xf32, #tpu.memory_space<vmem>>, %arg20: memref<8192xf32, #tpu.memory_space<vmem>>, %arg21: memref<8192xf32, #tpu.memory_space<vmem>>, %arg22: memref<8192xf32, #tpu.memory_space<vmem>>) attributes {dimension_semantics = [#tpu.dimension_semantics<core_parallel>, #tpu.dimension_semantics<subcore_parallel>], iteration_bounds = array<i64: 2, 16>, scalar_prefetch = 0 : i64, scratch_operands = 10 : i64, tpu.core_type = #tpu.core_type<sc_vector_subcore>, window_params = [{transform_indices = #map}, {transform_indices = #map}, {transform_indices = #map}, {transform_indices = #map}, {transform_indices = #map}, {transform_indices = #map}, {transform_indices = #map}, {transform_indices = #map}, {transform_indices = #map}, {transform_indices = #map}, {transform_indices = #map}]} {
    %mul3A = arith.constant 2 : i32
    %mul3A_0 = arith.muli %arg1, %mul3A : i32
    %add3A = arith.addi %mul3A_0, %arg0 : i32
    %mul3A_1 = arith.constant 8192 : i32
    %mul3A_2 = arith.muli %add3A, %mul3A_1 : i32
    %mul3A_3 = arith.constant 2 : i32
    %mul3A_4 = arith.muli %mul3A_2, %mul3A_3 : i32
    "tpu.region"() ({
      %run_scoped3A = tpu.sem_alloc : memref<!tpu.dma_semaphore, #tpu.memory_space<semaphore_mem>>
      %dma_start3A = tpu.memref_slice %arg2[%mul3A_4] : memref<524288xf32, #tpu.memory_space<hbm>> -> memref<16384xf32, #tpu.memory_space<hbm>>
      %dma_start3A_25 = tpu.memref_slice %arg2[%mul3A_4] : memref<524288xf32, #tpu.memory_space<hbm>> -> memref<16384xf32, #tpu.memory_space<hbm>>
      tpu.enqueue_dma source(%dma_start3A_25 : memref<16384xf32, #tpu.memory_space<hbm>>) target(%arg13 : memref<16384xf32, #tpu.memory_space<vmem>>) target_semaphore(%run_scoped3A : memref<!tpu.dma_semaphore, #tpu.memory_space<semaphore_mem>>)
      %dma_wait3A = tpu.memref_slice %arg2[%mul3A_4] : memref<524288xf32, #tpu.memory_space<hbm>> -> memref<16384xf32, #tpu.memory_space<hbm>>
      %dma_wait3A_26 = tpu.memref_slice %arg2[%mul3A_4] : memref<524288xf32, #tpu.memory_space<hbm>> -> memref<16384xf32, #tpu.memory_space<hbm>>
      tpu.wait_dma2 semaphore(%run_scoped3A : memref<!tpu.dma_semaphore, #tpu.memory_space<semaphore_mem>>) src(%dma_wait3A_26 : memref<16384xf32, #tpu.memory_space<hbm>>) dst(%arg13 : memref<16384xf32, #tpu.memory_space<vmem>>)
      tpu.yield
    }) : () -> ()
    "tpu.region"() ({
      %run_scoped3A = tpu.sem_alloc : memref<!tpu.dma_semaphore, #tpu.memory_space<semaphore_mem>>
      %dma_start3A = tpu.memref_slice %arg3[%mul3A_2] : memref<262144xf32, #tpu.memory_space<hbm>> -> memref<8192xf32, #tpu.memory_space<hbm>>
      %dma_start3A_25 = tpu.memref_slice %arg3[%mul3A_2] : memref<262144xf32, #tpu.memory_space<hbm>> -> memref<8192xf32, #tpu.memory_space<hbm>>
      tpu.enqueue_dma source(%dma_start3A_25 : memref<8192xf32, #tpu.memory_space<hbm>>) target(%arg14 : memref<8192xf32, #tpu.memory_space<vmem>>) target_semaphore(%run_scoped3A : memref<!tpu.dma_semaphore, #tpu.memory_space<semaphore_mem>>)
      %dma_wait3A = tpu.memref_slice %arg3[%mul3A_2] : memref<262144xf32, #tpu.memory_space<hbm>> -> memref<8192xf32, #tpu.memory_space<hbm>>
      %dma_wait3A_26 = tpu.memref_slice %arg3[%mul3A_2] : memref<262144xf32, #tpu.memory_space<hbm>> -> memref<8192xf32, #tpu.memory_space<hbm>>
      tpu.wait_dma2 semaphore(%run_scoped3A : memref<!tpu.dma_semaphore, #tpu.memory_space<semaphore_mem>>) src(%dma_wait3A_26 : memref<8192xf32, #tpu.memory_space<hbm>>) dst(%arg14 : memref<8192xf32, #tpu.memory_space<vmem>>)
      tpu.yield
    }) : () -> ()
    %mul3A_5 = arith.constant 3 : i32
    %mul3A_6 = arith.muli %mul3A_2, %mul3A_5 : i32
    "tpu.region"() ({
      %run_scoped3A = tpu.sem_alloc : memref<!tpu.dma_semaphore, #tpu.memory_space<semaphore_mem>>
      %dma_start3A = tpu.memref_slice %arg4[%mul3A_6] : memref<786432xf32, #tpu.memory_space<hbm>> -> memref<24576xf32, #tpu.memory_space<hbm>>
      %dma_start3A_25 = tpu.memref_slice %arg4[%mul3A_6] : memref<786432xf32, #tpu.memory_space<hbm>> -> memref<24576xf32, #tpu.memory_space<hbm>>
      tpu.enqueue_dma source(%dma_start3A_25 : memref<24576xf32, #tpu.memory_space<hbm>>) target(%arg15 : memref<24576xf32, #tpu.memory_space<vmem>>) target_semaphore(%run_scoped3A : memref<!tpu.dma_semaphore, #tpu.memory_space<semaphore_mem>>)
      %dma_wait3A = tpu.memref_slice %arg4[%mul3A_6] : memref<786432xf32, #tpu.memory_space<hbm>> -> memref<24576xf32, #tpu.memory_space<hbm>>
      %dma_wait3A_26 = tpu.memref_slice %arg4[%mul3A_6] : memref<786432xf32, #tpu.memory_space<hbm>> -> memref<24576xf32, #tpu.memory_space<hbm>>
      tpu.wait_dma2 semaphore(%run_scoped3A : memref<!tpu.dma_semaphore, #tpu.memory_space<semaphore_mem>>) src(%dma_wait3A_26 : memref<24576xf32, #tpu.memory_space<hbm>>) dst(%arg15 : memref<24576xf32, #tpu.memory_space<vmem>>)
      tpu.yield
    }) : () -> ()
    %iota3A = tpu.iota {dimensions = array<i32: 0>} : vector<16xi32>
    %scan3A = arith.constant 0 : i32
    %scan3A_7 = arith.constant 0 : i32
    %scan3A_8 = arith.constant 512 : i32
    %scan3A_9 = arith.addi %scan3A_7, %scan3A_8 : i32
    %scan3A_10 = arith.constant 1 : i32
    %scan3A_11 = scf.for %scan3A_25 = %scan3A_7 to %scan3A_9 step %scan3A_10 iter_args(%scan3A_26 = %scan3A) -> (i32)  : i32 {
      %mul3A_27 = arith.constant 16 : i32
      %mul3A_28 = arith.muli %scan3A_25, %mul3A_27 : i32
      %add3A_29 = arith.addi %mul3A_2, %mul3A_28 : i32
      %add3A_30 = vector.broadcast %add3A_29 : i32 to vector<16xi32>
      %add3A_31 = arith.addi %add3A_30, %iota3A : vector<16xi32>
      %shift_right_logical3A = arith.constant 9 : i32
      %shift_right_logical3A_32 = vector.broadcast %shift_right_logical3A : i32 to vector<16xi32>
      %shift_right_logical3A_33 = arith.shrui %add3A_31, %shift_right_logical3A_32 : vector<16xi32>
      %and3A = arith.constant 511 : i32
      %and3A_34 = vector.broadcast %and3A : i32 to vector<16xi32>
      %and3A_35 = arith.andi %add3A_31, %and3A_34 : vector<16xi32>
      %mul3A_36 = arith.constant 32 : i32
      %mul3A_37 = arith.muli %scan3A_25, %mul3A_36 : i32
      %mul3A_38 = arith.constant 2 : i32
      %mul3A_39 = vector.broadcast %mul3A_38 : i32 to vector<16xi32>
      %mul3A_40 = arith.muli %iota3A, %mul3A_39 : vector<16xi32>
      %add3A_41 = vector.broadcast %mul3A_37 : i32 to vector<16xi32>
      %add3A_42 = arith.addi %add3A_41, %mul3A_40 : vector<16xi32>
      %gather3A = tpu.vector_load_idx %arg13[%add3A_42] : memref<16384xf32, #tpu.memory_space<vmem>>[vector<16xi32>], vector<16xf32>,
      %add3A_43 = arith.constant 1 : i32
      %add3A_44 = vector.broadcast %add3A_43 : i32 to vector<16xi32>
      %add3A_45 = arith.addi %add3A_42, %add3A_44 : vector<16xi32>
      %gather3A_46 = tpu.vector_load_idx %arg13[%add3A_45] : memref<16384xf32, #tpu.memory_space<vmem>>[vector<16xi32>], vector<16xf32>,
      %convert_element_type3A = arith.sitofp %and3A_35 : vector<16xi32> to vector<16xf32>
      %add3A_47 = arith.addf %convert_element_type3A, %gather3A : vector<16xf32>
      %add3A_48 = arith.constant 5.000000e-01 : f32
      %add3A_49 = vector.broadcast %add3A_48 : f32 to vector<16xf32>
      %add3A_50 = arith.addf %add3A_47, %add3A_49 : vector<16xf32>
      %jit3A = arith.constant -1.000000e+06 : f32
      %jit3A_51 = arith.constant 1.000000e+06 : f32
      %max3A = vector.broadcast %jit3A : f32 to vector<16xf32>
      %max3A_52 = arith.maximumf %max3A, %add3A_50 : vector<16xf32>
      %min3A = vector.broadcast %jit3A_51 : f32 to vector<16xf32>
      %min3A_53 = arith.minimumf %min3A, %max3A_52 : vector<16xf32>
      %convert_element_type3A_54 = arith.fptosi %min3A_53 : vector<16xf32> to vector<16xi32>
      %convert_element_type3A_55 = arith.sitofp %convert_element_type3A_54 : vector<16xi32> to vector<16xf32>
      %lt3A = arith.cmpf olt, %min3A_53, %convert_element_type3A_55 : vector<16xf32>
      %sub3A = arith.constant 1 : i32
      %sub3A_56 = vector.broadcast %sub3A : i32 to vector<16xi32>
      %sub3A_57 = arith.subi %convert_element_type3A_54, %sub3A_56 : vector<16xi32>
      %select_n3A = arith.select %lt3A, %sub3A_57, %convert_element_type3A_54 : vector<16xi1>, vector<16xi32>
      %convert_element_type3A_58 = arith.sitofp %select_n3A : vector<16xi32> to vector<16xf32>
      %eq3A = arith.cmpf oeq, %min3A_53, %convert_element_type3A_58 : vector<16xf32>
      %and3A_59 = arith.constant 1 : i32
      %and3A_60 = vector.broadcast %and3A_59 : i32 to vector<16xi32>
      %and3A_61 = arith.andi %select_n3A, %and3A_60 : vector<16xi32>
      %eq3A_62 = arith.constant 1 : i32
      %eq3A_63 = vector.broadcast %eq3A_62 : i32 to vector<16xi32>
      %eq3A_64 = arith.cmpi eq, %and3A_61, %eq3A_63 : vector<16xi32>
      %and3A_65 = arith.andi %eq3A, %eq3A_64 : vector<16xi1>
      %sub3A_66 = arith.constant 1 : i32
      %sub3A_67 = vector.broadcast %sub3A_66 : i32 to vector<16xi32>
      %sub3A_68 = arith.subi %select_n3A, %sub3A_67 : vector<16xi32>
      %select_n3A_69 = arith.select %and3A_65, %sub3A_68, %select_n3A : vector<16xi1>, vector<16xi32>
      %convert_element_type3A_70 = arith.sitofp %shift_right_logical3A_33 : vector<16xi32> to vector<16xf32>
      %add3A_71 = arith.addf %convert_element_type3A_70, %gather3A_46 : vector<16xf32>
      %add3A_72 = arith.constant 5.000000e-01 : f32
      %add3A_73 = vector.broadcast %add3A_72 : f32 to vector<16xf32>
      %add3A_74 = arith.addf %add3A_71, %add3A_73 : vector<16xf32>
      %jit3A_75 = arith.constant -1.000000e+06 : f32
      %jit3A_76 = arith.constant 1.000000e+06 : f32
      %max3A_77 = vector.broadcast %jit3A_75 : f32 to vector<16xf32>
      %max3A_78 = arith.maximumf %max3A_77, %add3A_74 : vector<16xf32>
      %min3A_79 = vector.broadcast %jit3A_76 : f32 to vector<16xf32>
      %min3A_80 = arith.minimumf %min3A_79, %max3A_78 : vector<16xf32>
      %convert_element_type3A_81 = arith.fptosi %min3A_80 : vector<16xf32> to vector<16xi32>
      %convert_element_type3A_82 = arith.sitofp %convert_element_type3A_81 : vector<16xi32> to vector<16xf32>
      %lt3A_83 = arith.cmpf olt, %min3A_80, %convert_element_type3A_82 : vector<16xf32>
      %sub3A_84 = arith.constant 1 : i32
      %sub3A_85 = vector.broadcast %sub3A_84 : i32 to vector<16xi32>
      %sub3A_86 = arith.subi %convert_element_type3A_81, %sub3A_85 : vector<16xi32>
      %select_n3A_87 = arith.select %lt3A_83, %sub3A_86, %convert_element_type3A_81 : vector<16xi1>, vector<16xi32>
      %convert_element_type3A_88 = arith.sitofp %select_n3A_87 : vector<16xi32> to vector<16xf32>
      %eq3A_89 = arith.cmpf oeq, %min3A_80, %convert_element_type3A_88 : vector<16xf32>
      %and3A_90 = arith.constant 1 : i32
      %and3A_91 = vector.broadcast %and3A_90 : i32 to vector<16xi32>
      %and3A_92 = arith.andi %select_n3A_87, %and3A_91 : vector<16xi32>
      %eq3A_93 = arith.constant 1 : i32
      %eq3A_94 = vector.broadcast %eq3A_93 : i32 to vector<16xi32>
      %eq3A_95 = arith.cmpi eq, %and3A_92, %eq3A_94 : vector<16xi32>
      %and3A_96 = arith.andi %eq3A_89, %eq3A_95 : vector<16xi1>
      %sub3A_97 = arith.constant 1 : i32
      %sub3A_98 = vector.broadcast %sub3A_97 : i32 to vector<16xi32>
      %sub3A_99 = arith.subi %select_n3A_87, %sub3A_98 : vector<16xi32>
      %select_n3A_100 = arith.select %and3A_96, %sub3A_99, %select_n3A_87 : vector<16xi1>, vector<16xi32>
      %ge3A = arith.constant 0 : i32
      %ge3A_101 = vector.broadcast %ge3A : i32 to vector<16xi32>
      %ge3A_102 = arith.cmpi sge, %select_n3A_69, %ge3A_101 : vector<16xi32>
      %lt3A_103 = arith.constant 512 : i32
      %lt3A_104 = vector.broadcast %lt3A_103 : i32 to vector<16xi32>
      %lt3A_105 = arith.cmpi slt, %select_n3A_69, %lt3A_104 : vector<16xi32>
      %and3A_106 = arith.andi %ge3A_102, %lt3A_105 : vector<16xi1>
      %ge3A_107 = arith.constant 0 : i32
      %ge3A_108 = vector.broadcast %ge3A_107 : i32 to vector<16xi32>
      %ge3A_109 = arith.cmpi sge, %select_n3A_100, %ge3A_108 : vector<16xi32>
      %and3A_110 = arith.andi %and3A_106, %ge3A_109 : vector<16xi1>
      %lt3A_111 = arith.constant 512 : i32
      %lt3A_112 = vector.broadcast %lt3A_111 : i32 to vector<16xi32>
      %lt3A_113 = arith.cmpi slt, %select_n3A_100, %lt3A_112 : vector<16xi32>
      %and3A_114 = arith.andi %and3A_110, %lt3A_113 : vector<16xi1>
      %mul3A_115 = arith.constant 512 : i32
      %mul3A_116 = vector.broadcast %mul3A_115 : i32 to vector<16xi32>
      %mul3A_117 = arith.muli %select_n3A_100, %mul3A_116 : vector<16xi32>
      %add3A_118 = arith.addi %mul3A_117, %select_n3A_69 : vector<16xi32>
      %jit3A_119 = arith.constant 262144 : i32
      %broadcast_in_dim3A_120 = vector.broadcast %jit3A_119 : i32 to vector<16xi32>
      %select_n3A_121 = arith.select %and3A_114, %add3A_118, %broadcast_in_dim3A_120 : vector<16xi1>, vector<16xi32>
      %mul3A_122 = arith.constant 16 : i32
      %mul3A_123 = arith.muli %scan3A_25, %mul3A_122 : i32
      %get3A = arith.index_cast %mul3A_123 : i32 to index
      %get3A_124 = tpu.vector_load %arg14[%get3A] {strides = array<i32>} : memref<8192xf32, #tpu.memory_space<vmem>>, vector<16xf32>,
      %jit3A_125 = arith.constant 1.000000e+30 : f32
      %broadcast_in_dim3A_126 = vector.broadcast %jit3A_125 : f32 to vector<16xf32>
      %select_n3A_127 = arith.select %and3A_114, %get3A_124, %broadcast_in_dim3A_126 : vector<16xi1>, vector<16xf32>
      %mul3A_128 = arith.constant 16 : i32
      %mul3A_129 = arith.muli %scan3A_25, %mul3A_128 : i32
      %swap3A_130 = arith.index_cast %mul3A_129 : i32 to index
      %swap3A_131 = tpu.vector_load %arg16[%swap3A_130] {strides = array<i32>} : memref<8192xi32, #tpu.memory_space<vmem>>, vector<16xi32>,
      tpu.vector_store %arg16[%swap3A_130], %select_n3A_121 {strides = array<i32>} : memref<8192xi32, #tpu.memory_space<vmem>>, vector<16xi32>,
      %mul3A_132 = arith.constant 16 : i32
      %mul3A_133 = arith.muli %scan3A_25, %mul3A_132 : i32
      %swap3A_134 = arith.index_cast %mul3A_133 : i32 to index
      %swap3A_135 = tpu.vector_load %arg17[%swap3A_134] {strides = array<i32>} : memref<8192xf32, #tpu.memory_space<vmem>>, vector<16xf32>,
      tpu.vector_store %arg17[%swap3A_134], %select_n3A_127 {strides = array<i32>} : memref<8192xf32, #tpu.memory_space<vmem>>, vector<16xf32>,
      %shift_right_logical3A_136 = arith.constant 13 : i32
      %shift_right_logical3A_137 = vector.broadcast %shift_right_logical3A_136 : i32 to vector<16xi32>
      %shift_right_logical3A_138 = arith.shrui %select_n3A_121, %shift_right_logical3A_137 : vector<16xi32>
      %add3A_139 = arith.constant 1 : i32
      %add3A_140 = vector.broadcast %add3A_139 : i32 to vector<16xi32>
      %add3A_141 = arith.addi %shift_right_logical3A_138, %add3A_140 : vector<16xi32>
      %lt3A_142 = vector.broadcast %add3A : i32 to vector<16xi32>
      %lt3A_143 = arith.cmpi slt, %add3A_141, %lt3A_142 : vector<16xi32>
      %add3A_144 = arith.constant 1 : i32
      %add3A_145 = arith.addi %add3A, %add3A_144 : i32
      %gt3A = vector.broadcast %add3A_145 : i32 to vector<16xi32>
      %gt3A_146 = arith.cmpi sgt, %shift_right_logical3A_138, %gt3A : vector<16xi32>
      %or3A = arith.ori %lt3A_143, %gt3A_146 : vector<16xi1>
      %and3A_147 = arith.andi %and3A_114, %or3A : vector<16xi1>
      %convert_element_type3A_148 = arith.extui %and3A_147 : vector<16xi1> to vector<16xi32>
      %reduce_sum3A = arith.constant true
      %reduce_sum3A_149 = vector.broadcast %reduce_sum3A : i1 to vector<16xi1>
      %reduce_sum3A_150 = tpu.scan <sum>, %convert_element_type3A_148 masked %reduce_sum3A_149 : vector<16xi32>, vector<16xi1> -> vector<16xi32>
      %reduce_sum3A_151 = vector.extract %reduce_sum3A_150[15] : i32 from vector<16xi32>
      %reduce_or3A = arith.constant 1.000000e+00 : f32
      %reduce_or3A_152 = arith.constant 0.000000e+00 : f32
      %reduce_or3A_153 = vector.broadcast %reduce_or3A : f32 to vector<16xf32>
      %reduce_or3A_154 = vector.broadcast %reduce_or3A_152 : f32 to vector<16xf32>
      %reduce_or3A_155 = arith.select %and3A_147, %reduce_or3A_153, %reduce_or3A_154 : vector<16xi1>, vector<16xf32>
      %reduce_or3A_156 = arith.constant true
      %reduce_or3A_157 = vector.broadcast %reduce_or3A_156 : i1 to vector<16xi1>
      %reduce_or3A_158 = tpu.scan <max>, %reduce_or3A_155 masked %reduce_or3A_157 : vector<16xf32>, vector<16xi1> -> vector<16xf32>
      %reduce_or3A_159 = vector.extract %reduce_or3A_158[15] : f32 from vector<16xf32>
      %reduce_or3A_160 = arith.constant 0.000000e+00 : f32
      %reduce_or3A_161 = arith.cmpf ogt, %reduce_or3A_159, %reduce_or3A_160 : f32
      %convert_element_type3A_162 = arith.extui %reduce_or3A_161 : i1 to i32
      %cond3A = arith.constant 0 : i32
      %cond3A_163 = arith.cmpi ne, %convert_element_type3A_162, %cond3A : i32
      scf.if %cond3A_163 {
        %convert_element_type3A_165 = arith.extui %and3A_147 : vector<16xi1> to vector<16xi32>
        %broadcast_in_dim3A_166 = arith.constant true
        %broadcast_in_dim3A_167 = vector.broadcast %broadcast_in_dim3A_166 : i1 to vector<16xi1>
        %masked_cumsum3A = tpu.scan <sum>, %convert_element_type3A_165 masked %broadcast_in_dim3A_167 : vector<16xi32>, vector<16xi1> -> vector<16xi32>
        %add3A_168 = vector.broadcast %scan3A_26 : i32 to vector<16xi32>
        %add3A_169 = arith.addi %add3A_168, %masked_cumsum3A : vector<16xi32>
        %sub3A_170 = arith.constant 1 : i32
        %sub3A_171 = vector.broadcast %sub3A_170 : i32 to vector<16xi32>
        %sub3A_172 = arith.subi %add3A_169, %sub3A_171 : vector<16xi32>
        tpu.vector_store_idx %arg18[%sub3A_172], %select_n3A_121 masked %and3A_147 : memref<8192xi32, #tpu.memory_space<vmem>>[vector<16xi32>], vector<16xi32>, vector<16xi1>
        tpu.vector_store_idx %arg19[%sub3A_172], %select_n3A_127 masked %and3A_147 : memref<8192xf32, #tpu.memory_space<vmem>>[vector<16xi32>], vector<16xf32>, vector<16xi1>
        %mul3A_173 = arith.constant 16 : i32
        %mul3A_174 = arith.muli %scan3A_25, %mul3A_173 : i32
        %add3A_175 = vector.broadcast %mul3A_174 : i32 to vector<16xi32>
        %add3A_176 = arith.addi %add3A_175, %iota3A : vector<16xi32>
        %mul3A_177 = arith.constant 3 : i32
        %mul3A_178 = vector.broadcast %mul3A_177 : i32 to vector<16xi32>
        %mul3A_179 = arith.muli %add3A_176, %mul3A_178 : vector<16xi32>
        %add3A_180 = arith.constant 0 : i32
        %add3A_181 = vector.broadcast %add3A_180 : i32 to vector<16xi32>
        %add3A_182 = arith.addi %mul3A_179, %add3A_181 : vector<16xi32>
        %gather3A_183 = tpu.vector_load_idx %arg15[%add3A_182] masked %and3A_147 : memref<24576xf32, #tpu.memory_space<vmem>>[vector<16xi32>], vector<16xf32>, vector<16xi1>
        tpu.vector_store_idx %arg20[%sub3A_172], %gather3A_183 masked %and3A_147 : memref<8192xf32, #tpu.memory_space<vmem>>[vector<16xi32>], vector<16xf32>, vector<16xi1>
        %add3A_184 = arith.constant 1 : i32
        %add3A_185 = vector.broadcast %add3A_184 : i32 to vector<16xi32>
        %add3A_186 = arith.addi %mul3A_179, %add3A_185 : vector<16xi32>
        %gather3A_187 = tpu.vector_load_idx %arg15[%add3A_186] masked %and3A_147 : memref<24576xf32, #tpu.memory_space<vmem>>[vector<16xi32>], vector<16xf32>, vector<16xi1>
        tpu.vector_store_idx %arg21[%sub3A_172], %gather3A_187 masked %and3A_147 : memref<8192xf32, #tpu.memory_space<vmem>>[vector<16xi32>], vector<16xf32>, vector<16xi1>
        %add3A_188 = arith.constant 2 : i32
        %add3A_189 = vector.broadcast %add3A_188 : i32 to vector<16xi32>
        %add3A_190 = arith.addi %mul3A_179, %add3A_189 : vector<16xi32>
        %gather3A_191 = tpu.vector_load_idx %arg15[%add3A_190] masked %and3A_147 : memref<24576xf32, #tpu.memory_space<vmem>>[vector<16xi32>], vector<16xf32>, vector<16xi1>
        tpu.vector_store_idx %arg22[%sub3A_172], %gather3A_191 masked %and3A_147 : memref<8192xf32, #tpu.memory_space<vmem>>[vector<16xi32>], vector<16xf32>, vector<16xi1>
      } else {
      }
      %add3A_164 = arith.addi %scan3A_26, %reduce_sum3A_151 : i32
      scf.yield %add3A_164 : i32
    }
    %scan3A_12 = arith.constant 512 : i32
    "tpu.region"() ({
      %run_scoped3A = tpu.sem_alloc : memref<!tpu.dma_semaphore, #tpu.memory_space<semaphore_mem>>
      %dma_start3A = tpu.memref_slice %arg5[%mul3A_2] : memref<262144xi32, #tpu.memory_space<hbm>> -> memref<8192xi32, #tpu.memory_space<hbm>>
      %dma_start3A_25 = tpu.memref_slice %arg5[%mul3A_2] : memref<262144xi32, #tpu.memory_space<hbm>> -> memref<8192xi32, #tpu.memory_space<hbm>>
      tpu.enqueue_dma source(%arg16 : memref<8192xi32, #tpu.memory_space<vmem>>) target(%dma_start3A_25 : memref<8192xi32, #tpu.memory_space<hbm>>) target_semaphore(%run_scoped3A : memref<!tpu.dma_semaphore, #tpu.memory_space<semaphore_mem>>)
      %dma_wait3A = tpu.memref_slice %arg5[%mul3A_2] : memref<262144xi32, #tpu.memory_space<hbm>> -> memref<8192xi32, #tpu.memory_space<hbm>>
      %dma_wait3A_26 = tpu.memref_slice %arg5[%mul3A_2] : memref<262144xi32, #tpu.memory_space<hbm>> -> memref<8192xi32, #tpu.memory_space<hbm>>
      tpu.wait_dma2 semaphore(%run_scoped3A : memref<!tpu.dma_semaphore, #tpu.memory_space<semaphore_mem>>) src(%arg16 : memref<8192xi32, #tpu.memory_space<vmem>>) dst(%dma_wait3A_26 : memref<8192xi32, #tpu.memory_space<hbm>>)
      tpu.yield
    }) : () -> ()
    "tpu.region"() ({
      %run_scoped3A = tpu.sem_alloc : memref<!tpu.dma_semaphore, #tpu.memory_space<semaphore_mem>>
      %dma_start3A = tpu.memref_slice %arg6[%mul3A_2] : memref<262144xf32, #tpu.memory_space<hbm>> -> memref<8192xf32, #tpu.memory_space<hbm>>
      %dma_start3A_25 = tpu.memref_slice %arg6[%mul3A_2] : memref<262144xf32, #tpu.memory_space<hbm>> -> memref<8192xf32, #tpu.memory_space<hbm>>
      tpu.enqueue_dma source(%arg17 : memref<8192xf32, #tpu.memory_space<vmem>>) target(%dma_start3A_25 : memref<8192xf32, #tpu.memory_space<hbm>>) target_semaphore(%run_scoped3A : memref<!tpu.dma_semaphore, #tpu.memory_space<semaphore_mem>>)
      %dma_wait3A = tpu.memref_slice %arg6[%mul3A_2] : memref<262144xf32, #tpu.memory_space<hbm>> -> memref<8192xf32, #tpu.memory_space<hbm>>
      %dma_wait3A_26 = tpu.memref_slice %arg6[%mul3A_2] : memref<262144xf32, #tpu.memory_space<hbm>> -> memref<8192xf32, #tpu.memory_space<hbm>>
      tpu.wait_dma2 semaphore(%run_scoped3A : memref<!tpu.dma_semaphore, #tpu.memory_space<semaphore_mem>>) src(%arg17 : memref<8192xf32, #tpu.memory_space<vmem>>) dst(%dma_wait3A_26 : memref<8192xf32, #tpu.memory_space<hbm>>)
      tpu.yield
    }) : () -> ()
    %broadcast_in_dim3A = arith.constant 0 : i32
    %broadcast_in_dim3A_13 = vector.broadcast %broadcast_in_dim3A : i32 to vector<16xi32>
    %add3A_14 = vector.broadcast %scan3A_11 : i32 to vector<16xi32>
    %add3A_15 = arith.addi %broadcast_in_dim3A_13, %add3A_14 : vector<16xi32>
    %swap3A = arith.constant 0 : index
    %swap3A_16 = tpu.vector_load %arg16[%swap3A] {strides = array<i32>} : memref<8192xi32, #tpu.memory_space<vmem>>, vector<16xi32>,
    tpu.vector_store %arg16[%swap3A], %add3A_15 {strides = array<i32>} : memref<8192xi32, #tpu.memory_space<vmem>>, vector<16xi32>,
    %mul3A_17 = arith.constant 16 : i32
    %mul3A_18 = arith.muli %add3A, %mul3A_17 : i32
    "tpu.region"() ({
      %run_scoped3A = tpu.sem_alloc : memref<!tpu.dma_semaphore, #tpu.memory_space<semaphore_mem>>
      %dma_start3A = arith.constant 0 : i32
      %dma_start3A_25 = tpu.memref_slice %arg16[%dma_start3A] : memref<8192xi32, #tpu.memory_space<vmem>> -> memref<16xi32, #tpu.memory_space<vmem>>
      %dma_start3A_26 = tpu.memref_slice %arg7[%mul3A_18] : memref<512xi32, #tpu.memory_space<hbm>> -> memref<16xi32, #tpu.memory_space<hbm>>
      %dma_start3A_27 = tpu.memref_slice %arg7[%mul3A_18] : memref<512xi32, #tpu.memory_space<hbm>> -> memref<16xi32, #tpu.memory_space<hbm>>
      %dma_start3A_28 = arith.constant 0 : i32
      %dma_start3A_29 = tpu.memref_slice %arg16[%dma_start3A_28] : memref<8192xi32, #tpu.memory_space<vmem>> -> memref<16xi32, #tpu.memory_space<vmem>>
      tpu.enqueue_dma source(%dma_start3A_29 : memref<16xi32, #tpu.memory_space<vmem>>) target(%dma_start3A_27 : memref<16xi32, #tpu.memory_space<hbm>>) target_semaphore(%run_scoped3A : memref<!tpu.dma_semaphore, #tpu.memory_space<semaphore_mem>>)
      %dma_wait3A = arith.constant 0 : i32
      %dma_wait3A_30 = tpu.memref_slice %arg16[%dma_wait3A] : memref<8192xi32, #tpu.memory_space<vmem>> -> memref<16xi32, #tpu.memory_space<vmem>>
      %dma_wait3A_31 = tpu.memref_slice %arg7[%mul3A_18] : memref<512xi32, #tpu.memory_space<hbm>> -> memref<16xi32, #tpu.memory_space<hbm>>
      %dma_wait3A_32 = tpu.memref_slice %arg7[%mul3A_18] : memref<512xi32, #tpu.memory_space<hbm>> -> memref<16xi32, #tpu.memory_space<hbm>>
      %dma_wait3A_33 = arith.constant 0 : i32
      %dma_wait3A_34 = tpu.memref_slice %arg16[%dma_wait3A_33] : memref<8192xi32, #tpu.memory_space<vmem>> -> memref<16xi32, #tpu.memory_space<vmem>>
      tpu.wait_dma2 semaphore(%run_scoped3A : memref<!tpu.dma_semaphore, #tpu.memory_space<semaphore_mem>>) src(%dma_wait3A_34 : memref<16xi32, #tpu.memory_space<vmem>>) dst(%dma_wait3A_32 : memref<16xi32, #tpu.memory_space<hbm>>)
      tpu.yield
    }) : () -> ()
    %scan3A_19 = arith.constant 0 : i32
    %scan3A_20 = arith.constant 0 : i32
    %scan3A_21 = arith.constant 8 : i32
    %scan3A_22 = arith.addi %scan3A_20, %scan3A_21 : i32
    %scan3A_23 = arith.constant 1 : i32
    scf.for %scan3A_25 = %scan3A_20 to %scan3A_22 step %scan3A_23  : i32 {
      %mul3A_26 = arith.constant 1024 : i32
      %mul3A_27 = arith.muli %scan3A_25, %mul3A_26 : i32
      %lt3A = arith.cmpi slt, %mul3A_27, %scan3A_11 : i32
      %convert_element_type3A = arith.extui %lt3A : i1 to i32
      %cond3A = arith.constant 0 : i32
      %cond3A_28 = arith.cmpi ne, %convert_element_type3A, %cond3A : i32
      scf.if %cond3A_28 {
        %mul3A_29 = arith.constant 1024 : i32
        %mul3A_30 = arith.muli %scan3A_25, %mul3A_29 : i32
        %add3A_31 = arith.addi %mul3A_2, %mul3A_30 : i32
        "tpu.region"() ({
          %run_scoped3A = tpu.sem_alloc : memref<!tpu.dma_semaphore, #tpu.memory_space<semaphore_mem>>
          %dma_start3A = tpu.memref_slice %arg18[%mul3A_30] : memref<8192xi32, #tpu.memory_space<vmem>> -> memref<1024xi32, #tpu.memory_space<vmem>>
          %dma_start3A_36 = tpu.memref_slice %arg8[%add3A_31] : memref<262144xi32, #tpu.memory_space<hbm>> -> memref<1024xi32, #tpu.memory_space<hbm>>
          %dma_start3A_37 = tpu.memref_slice %arg8[%add3A_31] : memref<262144xi32, #tpu.memory_space<hbm>> -> memref<1024xi32, #tpu.memory_space<hbm>>
          %dma_start3A_38 = tpu.memref_slice %arg18[%mul3A_30] : memref<8192xi32, #tpu.memory_space<vmem>> -> memref<1024xi32, #tpu.memory_space<vmem>>
          tpu.enqueue_dma source(%dma_start3A_38 : memref<1024xi32, #tpu.memory_space<vmem>>) target(%dma_start3A_37 : memref<1024xi32, #tpu.memory_space<hbm>>) target_semaphore(%run_scoped3A : memref<!tpu.dma_semaphore, #tpu.memory_space<semaphore_mem>>)
          %dma_wait3A = tpu.memref_slice %arg18[%mul3A_30] : memref<8192xi32, #tpu.memory_space<vmem>> -> memref<1024xi32, #tpu.memory_space<vmem>>
          %dma_wait3A_39 = tpu.memref_slice %arg8[%add3A_31] : memref<262144xi32, #tpu.memory_space<hbm>> -> memref<1024xi32, #tpu.memory_space<hbm>>
          %dma_wait3A_40 = tpu.memref_slice %arg8[%add3A_31] : memref<262144xi32, #tpu.memory_space<hbm>> -> memref<1024xi32, #tpu.memory_space<hbm>>
          %dma_wait3A_41 = tpu.memref_slice %arg18[%mul3A_30] : memref<8192xi32, #tpu.memory_space<vmem>> -> memref<1024xi32, #tpu.memory_space<vmem>>
          tpu.wait_dma2 semaphore(%run_scoped3A : memref<!tpu.dma_semaphore, #tpu.memory_space<semaphore_mem>>) src(%dma_wait3A_41 : memref<1024xi32, #tpu.memory_space<vmem>>) dst(%dma_wait3A_40 : memref<1024xi32, #tpu.memory_space<hbm>>)
          tpu.yield
        }) : () -> ()
        %add3A_32 = arith.addi %mul3A_2, %mul3A_30 : i32
        "tpu.region"() ({
          %run_scoped3A = tpu.sem_alloc : memref<!tpu.dma_semaphore, #tpu.memory_space<semaphore_mem>>
          %dma_start3A = tpu.memref_slice %arg19[%mul3A_30] : memref<8192xf32, #tpu.memory_space<vmem>> -> memref<1024xf32, #tpu.memory_space<vmem>>
          %dma_start3A_36 = tpu.memref_slice %arg9[%add3A_32] : memref<262144xf32, #tpu.memory_space<hbm>> -> memref<1024xf32, #tpu.memory_space<hbm>>
          %dma_start3A_37 = tpu.memref_slice %arg9[%add3A_32] : memref<262144xf32, #tpu.memory_space<hbm>> -> memref<1024xf32, #tpu.memory_space<hbm>>
          %dma_start3A_38 = tpu.memref_slice %arg19[%mul3A_30] : memref<8192xf32, #tpu.memory_space<vmem>> -> memref<1024xf32, #tpu.memory_space<vmem>>
          tpu.enqueue_dma source(%dma_start3A_38 : memref<1024xf32, #tpu.memory_space<vmem>>) target(%dma_start3A_37 : memref<1024xf32, #tpu.memory_space<hbm>>) target_semaphore(%run_scoped3A : memref<!tpu.dma_semaphore, #tpu.memory_space<semaphore_mem>>)
          %dma_wait3A = tpu.memref_slice %arg19[%mul3A_30] : memref<8192xf32, #tpu.memory_space<vmem>> -> memref<1024xf32, #tpu.memory_space<vmem>>
          %dma_wait3A_39 = tpu.memref_slice %arg9[%add3A_32] : memref<262144xf32, #tpu.memory_space<hbm>> -> memref<1024xf32, #tpu.memory_space<hbm>>
          %dma_wait3A_40 = tpu.memref_slice %arg9[%add3A_32] : memref<262144xf32, #tpu.memory_space<hbm>> -> memref<1024xf32, #tpu.memory_space<hbm>>
          %dma_wait3A_41 = tpu.memref_slice %arg19[%mul3A_30] : memref<8192xf32, #tpu.memory_space<vmem>> -> memref<1024xf32, #tpu.memory_space<vmem>>
          tpu.wait_dma2 semaphore(%run_scoped3A : memref<!tpu.dma_semaphore, #tpu.memory_space<semaphore_mem>>) src(%dma_wait3A_41 : memref<1024xf32, #tpu.memory_space<vmem>>) dst(%dma_wait3A_40 : memref<1024xf32, #tpu.memory_space<hbm>>)
          tpu.yield
        }) : () -> ()
        %add3A_33 = arith.addi %mul3A_2, %mul3A_30 : i32
        "tpu.region"() ({
          %run_scoped3A = tpu.sem_alloc : memref<!tpu.dma_semaphore, #tpu.memory_space<semaphore_mem>>
          %dma_start3A = tpu.memref_slice %arg20[%mul3A_30] : memref<8192xf32, #tpu.memory_space<vmem>> -> memref<1024xf32, #tpu.memory_space<vmem>>
          %dma_start3A_36 = tpu.memref_slice %arg10[%add3A_33] : memref<262144xf32, #tpu.memory_space<hbm>> -> memref<1024xf32, #tpu.memory_space<hbm>>
          %dma_start3A_37 = tpu.memref_slice %arg10[%add3A_33] : memref<262144xf32, #tpu.memory_space<hbm>> -> memref<1024xf32, #tpu.memory_space<hbm>>
          %dma_start3A_38 = tpu.memref_slice %arg20[%mul3A_30] : memref<8192xf32, #tpu.memory_space<vmem>> -> memref<1024xf32, #tpu.memory_space<vmem>>
          tpu.enqueue_dma source(%dma_start3A_38 : memref<1024xf32, #tpu.memory_space<vmem>>) target(%dma_start3A_37 : memref<1024xf32, #tpu.memory_space<hbm>>) target_semaphore(%run_scoped3A : memref<!tpu.dma_semaphore, #tpu.memory_space<semaphore_mem>>)
          %dma_wait3A = tpu.memref_slice %arg20[%mul3A_30] : memref<8192xf32, #tpu.memory_space<vmem>> -> memref<1024xf32, #tpu.memory_space<vmem>>
          %dma_wait3A_39 = tpu.memref_slice %arg10[%add3A_33] : memref<262144xf32, #tpu.memory_space<hbm>> -> memref<1024xf32, #tpu.memory_space<hbm>>
          %dma_wait3A_40 = tpu.memref_slice %arg10[%add3A_33] : memref<262144xf32, #tpu.memory_space<hbm>> -> memref<1024xf32, #tpu.memory_space<hbm>>
          %dma_wait3A_41 = tpu.memref_slice %arg20[%mul3A_30] : memref<8192xf32, #tpu.memory_space<vmem>> -> memref<1024xf32, #tpu.memory_space<vmem>>
          tpu.wait_dma2 semaphore(%run_scoped3A : memref<!tpu.dma_semaphore, #tpu.memory_space<semaphore_mem>>) src(%dma_wait3A_41 : memref<1024xf32, #tpu.memory_space<vmem>>) dst(%dma_wait3A_40 : memref<1024xf32, #tpu.memory_space<hbm>>)
          tpu.yield
        }) : () -> ()
        %add3A_34 = arith.addi %mul3A_2, %mul3A_30 : i32
        "tpu.region"() ({
          %run_scoped3A = tpu.sem_alloc : memref<!tpu.dma_semaphore, #tpu.memory_space<semaphore_mem>>
          %dma_start3A = tpu.memref_slice %arg21[%mul3A_30] : memref<8192xf32, #tpu.memory_space<vmem>> -> memref<1024xf32, #tpu.memory_space<vmem>>
          %dma_start3A_36 = tpu.memref_slice %arg11[%add3A_34] : memref<262144xf32, #tpu.memory_space<hbm>> -> memref<1024xf32, #tpu.memory_space<hbm>>
          %dma_start3A_37 = tpu.memref_slice %arg11[%add3A_34] : memref<262144xf32, #tpu.memory_space<hbm>> -> memref<1024xf32, #tpu.memory_space<hbm>>
          %dma_start3A_38 = tpu.memref_slice %arg21[%mul3A_30] : memref<8192xf32, #tpu.memory_space<vmem>> -> memref<1024xf32, #tpu.memory_space<vmem>>
          tpu.enqueue_dma source(%dma_start3A_38 : memref<1024xf32, #tpu.memory_space<vmem>>) target(%dma_start3A_37 : memref<1024xf32, #tpu.memory_space<hbm>>) target_semaphore(%run_scoped3A : memref<!tpu.dma_semaphore, #tpu.memory_space<semaphore_mem>>)
          %dma_wait3A = tpu.memref_slice %arg21[%mul3A_30] : memref<8192xf32, #tpu.memory_space<vmem>> -> memref<1024xf32, #tpu.memory_space<vmem>>
          %dma_wait3A_39 = tpu.memref_slice %arg11[%add3A_34] : memref<262144xf32, #tpu.memory_space<hbm>> -> memref<1024xf32, #tpu.memory_space<hbm>>
          %dma_wait3A_40 = tpu.memref_slice %arg11[%add3A_34] : memref<262144xf32, #tpu.memory_space<hbm>> -> memref<1024xf32, #tpu.memory_space<hbm>>
          %dma_wait3A_41 = tpu.memref_slice %arg21[%mul3A_30] : memref<8192xf32, #tpu.memory_space<vmem>> -> memref<1024xf32, #tpu.memory_space<vmem>>
          tpu.wait_dma2 semaphore(%run_scoped3A : memref<!tpu.dma_semaphore, #tpu.memory_space<semaphore_mem>>) src(%dma_wait3A_41 : memref<1024xf32, #tpu.memory_space<vmem>>) dst(%dma_wait3A_40 : memref<1024xf32, #tpu.memory_space<hbm>>)
          tpu.yield
        }) : () -> ()
        %add3A_35 = arith.addi %mul3A_2, %mul3A_30 : i32
        "tpu.region"() ({
          %run_scoped3A = tpu.sem_alloc : memref<!tpu.dma_semaphore, #tpu.memory_space<semaphore_mem>>
          %dma_start3A = tpu.memref_slice %arg22[%mul3A_30] : memref<8192xf32, #tpu.memory_space<vmem>> -> memref<1024xf32, #tpu.memory_space<vmem>>
          %dma_start3A_36 = tpu.memref_slice %arg12[%add3A_35] : memref<262144xf32, #tpu.memory_space<hbm>> -> memref<1024xf32, #tpu.memory_space<hbm>>
          %dma_start3A_37 = tpu.memref_slice %arg12[%add3A_35] : memref<262144xf32, #tpu.memory_space<hbm>> -> memref<1024xf32, #tpu.memory_space<hbm>>
          %dma_start3A_38 = tpu.memref_slice %arg22[%mul3A_30] : memref<8192xf32, #tpu.memory_space<vmem>> -> memref<1024xf32, #tpu.memory_space<vmem>>
          tpu.enqueue_dma source(%dma_start3A_38 : memref<1024xf32, #tpu.memory_space<vmem>>) target(%dma_start3A_37 : memref<1024xf32, #tpu.memory_space<hbm>>) target_semaphore(%run_scoped3A : memref<!tpu.dma_semaphore, #tpu.memory_space<semaphore_mem>>)
          %dma_wait3A = tpu.memref_slice %arg22[%mul3A_30] : memref<8192xf32, #tpu.memory_space<vmem>> -> memref<1024xf32, #tpu.memory_space<vmem>>
          %dma_wait3A_39 = tpu.memref_slice %arg12[%add3A_35] : memref<262144xf32, #tpu.memory_space<hbm>> -> memref<1024xf32, #tpu.memory_space<hbm>>
          %dma_wait3A_40 = tpu.memref_slice %arg12[%add3A_35] : memref<262144xf32, #tpu.memory_space<hbm>> -> memref<1024xf32, #tpu.memory_space<hbm>>
          %dma_wait3A_41 = tpu.memref_slice %arg22[%mul3A_30] : memref<8192xf32, #tpu.memory_space<vmem>> -> memref<1024xf32, #tpu.memory_space<vmem>>
          tpu.wait_dma2 semaphore(%run_scoped3A : memref<!tpu.dma_semaphore, #tpu.memory_space<semaphore_mem>>) src(%dma_wait3A_41 : memref<1024xf32, #tpu.memory_space<vmem>>) dst(%dma_wait3A_40 : memref<1024xf32, #tpu.memory_space<hbm>>)
          tpu.yield
        }) : () -> ()
      } else {
      }
    }
    %scan3A_24 = arith.constant 8 : i32
    return
  }
}

#map = affine_map<(d0, d1) -> (0)>
module attributes {stable_mosaic.version = 14 : i64} {
  func.func @_zbuf_body(%arg0: i32, %arg1: i32, %arg2: memref<262144xi32, #tpu.memory_space<hbm>>, %arg3: memref<262144xf32, #tpu.memory_space<hbm>>, %arg4: memref<786432xf32, #tpu.memory_space<hbm>>, %arg5: memref<512xi32, #tpu.memory_space<hbm>>, %arg6: memref<262144xi32, #tpu.memory_space<hbm>>, %arg7: memref<262144xf32, #tpu.memory_space<hbm>>, %arg8: memref<262144xf32, #tpu.memory_space<hbm>>, %arg9: memref<262144xf32, #tpu.memory_space<hbm>>, %arg10: memref<262144xf32, #tpu.memory_space<hbm>>, %arg11: memref<786432xf32, #tpu.memory_space<hbm>>, %arg12: memref<8192xf32, #tpu.memory_space<vmem>>, %arg13: memref<24576xf32, #tpu.memory_space<vmem>>, %arg14: memref<512xi32, #tpu.memory_space<vmem>>, %arg15: memref<8192xi32, #tpu.memory_space<vmem>>, %arg16: memref<8192xf32, #tpu.memory_space<vmem>>, %arg17: memref<24576xf32, #tpu.memory_space<vmem>>) attributes {dimension_semantics = [#tpu.dimension_semantics<core_parallel>, #tpu.dimension_semantics<subcore_parallel>], iteration_bounds = array<i64: 2, 16>, scalar_prefetch = 0 : i64, scratch_operands = 6 : i64, tpu.core_type = #tpu.core_type<sc_vector_subcore>, window_params = [{transform_indices = #map}, {transform_indices = #map}, {transform_indices = #map}, {transform_indices = #map}, {transform_indices = #map}, {transform_indices = #map}, {transform_indices = #map}, {transform_indices = #map}, {transform_indices = #map}, {transform_indices = #map}]} {
    %mul3A = arith.constant 2 : i32
    %mul3A_0 = arith.muli %arg1, %mul3A : i32
    %add3A = arith.addi %mul3A_0, %arg0 : i32
    %mul3A_1 = arith.constant 8192 : i32
    %mul3A_2 = arith.muli %add3A, %mul3A_1 : i32
    %add3A_3 = arith.constant 8192 : i32
    %add3A_4 = arith.addi %mul3A_2, %add3A_3 : i32
    %iota3A = tpu.iota {dimensions = array<i32: 0>} : vector<16xi32>
    "tpu.region"() ({
      %run_scoped3A = tpu.sem_alloc : memref<!tpu.dma_semaphore, #tpu.memory_space<semaphore_mem>>
      tpu.enqueue_dma source(%arg5 : memref<512xi32, #tpu.memory_space<hbm>>) target(%arg14 : memref<512xi32, #tpu.memory_space<vmem>>) target_semaphore(%run_scoped3A : memref<!tpu.dma_semaphore, #tpu.memory_space<semaphore_mem>>)
      tpu.wait_dma2 semaphore(%run_scoped3A : memref<!tpu.dma_semaphore, #tpu.memory_space<semaphore_mem>>) src(%arg5 : memref<512xi32, #tpu.memory_space<hbm>>) dst(%arg14 : memref<512xi32, #tpu.memory_space<vmem>>)
      tpu.yield
    }) : () -> ()
    %scan3A = arith.constant 0 : i32
    %scan3A_5 = arith.constant 0 : i32
    %scan3A_6 = arith.constant 512 : i32
    %scan3A_7 = arith.addi %scan3A_5, %scan3A_6 : i32
    %scan3A_8 = arith.constant 1 : i32
    scf.for %scan3A_42 = %scan3A_5 to %scan3A_7 step %scan3A_8  : i32 {
      %broadcast_in_dim3A = arith.constant 1.000000e+30 : f32
      %broadcast_in_dim3A_43 = vector.broadcast %broadcast_in_dim3A : f32 to vector<16xf32>
      %mul3A_44 = arith.constant 16 : i32
      %mul3A_45 = arith.muli %scan3A_42, %mul3A_44 : i32
      %swap3A = arith.index_cast %mul3A_45 : i32 to index
      %swap3A_46 = tpu.vector_load %arg12[%swap3A] {strides = array<i32>} : memref<8192xf32, #tpu.memory_space<vmem>>, vector<16xf32>,
      tpu.vector_store %arg12[%swap3A], %broadcast_in_dim3A_43 {strides = array<i32>} : memref<8192xf32, #tpu.memory_space<vmem>>, vector<16xf32>,
    }
    %scan3A_9 = arith.constant 512 : i32
    %scan3A_10 = arith.constant 0 : i32
    %scan3A_11 = arith.constant 0 : i32
    %scan3A_12 = arith.constant 1536 : i32
    %scan3A_13 = arith.addi %scan3A_11, %scan3A_12 : i32
    %scan3A_14 = arith.constant 1 : i32
    scf.for %scan3A_42 = %scan3A_11 to %scan3A_13 step %scan3A_14  : i32 {
      %broadcast_in_dim3A = arith.constant 0.000000e+00 : f32
      %broadcast_in_dim3A_43 = vector.broadcast %broadcast_in_dim3A : f32 to vector<16xf32>
      %mul3A_44 = arith.constant 16 : i32
      %mul3A_45 = arith.muli %scan3A_42, %mul3A_44 : i32
      %swap3A = arith.index_cast %mul3A_45 : i32 to index
      %swap3A_46 = tpu.vector_load %arg13[%swap3A] {strides = array<i32>} : memref<24576xf32, #tpu.memory_space<vmem>>, vector<16xf32>,
      tpu.vector_store %arg13[%swap3A], %broadcast_in_dim3A_43 {strides = array<i32>} : memref<24576xf32, #tpu.memory_space<vmem>>, vector<16xf32>,
    }
    %scan3A_15 = arith.constant 1536 : i32
    %scan3A_16 = arith.constant 0 : i32
    %scan3A_17 = arith.constant 0 : i32
    %scan3A_18 = arith.constant 3 : i32
    %scan3A_19 = arith.addi %scan3A_17, %scan3A_18 : i32
    %scan3A_20 = arith.constant 1 : i32
    scf.for %scan3A_42 = %scan3A_17 to %scan3A_19 step %scan3A_20  : i32 {
      %add3A_43 = arith.addi %add3A, %scan3A_42 : i32
      %sub3A = arith.constant 1 : i32
      %sub3A_44 = arith.subi %add3A_43, %sub3A : i32
      %ge3A = arith.constant 0 : i32
      %ge3A_45 = arith.cmpi sge, %sub3A_44, %ge3A : i32
      %lt3A = arith.constant 32 : i32
      %lt3A_46 = arith.cmpi slt, %sub3A_44, %lt3A : i32
      %and3A = arith.andi %ge3A_45, %lt3A_46 : i1
      %convert_element_type3A = arith.extui %and3A : i1 to i32
      %cond3A = arith.constant 0 : i32
      %cond3A_47 = arith.cmpi ne, %convert_element_type3A, %cond3A : i32
      scf.if %cond3A_47 {
        %mul3A_48 = arith.constant 8192 : i32
        %mul3A_49 = arith.muli %sub3A_44, %mul3A_48 : i32
        "tpu.region"() ({
          %run_scoped3A = tpu.sem_alloc : memref<!tpu.dma_semaphore, #tpu.memory_space<semaphore_mem>>
          %dma_start3A = tpu.memref_slice %arg2[%mul3A_49] : memref<262144xi32, #tpu.memory_space<hbm>> -> memref<8192xi32, #tpu.memory_space<hbm>>
          %dma_start3A_58 = tpu.memref_slice %arg2[%mul3A_49] : memref<262144xi32, #tpu.memory_space<hbm>> -> memref<8192xi32, #tpu.memory_space<hbm>>
          tpu.enqueue_dma source(%dma_start3A_58 : memref<8192xi32, #tpu.memory_space<hbm>>) target(%arg15 : memref<8192xi32, #tpu.memory_space<vmem>>) target_semaphore(%run_scoped3A : memref<!tpu.dma_semaphore, #tpu.memory_space<semaphore_mem>>)
          %dma_wait3A = tpu.memref_slice %arg2[%mul3A_49] : memref<262144xi32, #tpu.memory_space<hbm>> -> memref<8192xi32, #tpu.memory_space<hbm>>
          %dma_wait3A_59 = tpu.memref_slice %arg2[%mul3A_49] : memref<262144xi32, #tpu.memory_space<hbm>> -> memref<8192xi32, #tpu.memory_space<hbm>>
          tpu.wait_dma2 semaphore(%run_scoped3A : memref<!tpu.dma_semaphore, #tpu.memory_space<semaphore_mem>>) src(%dma_wait3A_59 : memref<8192xi32, #tpu.memory_space<hbm>>) dst(%arg15 : memref<8192xi32, #tpu.memory_space<vmem>>)
          tpu.yield
        }) : () -> ()
        %mul3A_50 = arith.constant 8192 : i32
        %mul3A_51 = arith.muli %sub3A_44, %mul3A_50 : i32
        "tpu.region"() ({
          %run_scoped3A = tpu.sem_alloc : memref<!tpu.dma_semaphore, #tpu.memory_space<semaphore_mem>>
          %dma_start3A = tpu.memref_slice %arg3[%mul3A_51] : memref<262144xf32, #tpu.memory_space<hbm>> -> memref<8192xf32, #tpu.memory_space<hbm>>
          %dma_start3A_58 = tpu.memref_slice %arg3[%mul3A_51] : memref<262144xf32, #tpu.memory_space<hbm>> -> memref<8192xf32, #tpu.memory_space<hbm>>
          tpu.enqueue_dma source(%dma_start3A_58 : memref<8192xf32, #tpu.memory_space<hbm>>) target(%arg16 : memref<8192xf32, #tpu.memory_space<vmem>>) target_semaphore(%run_scoped3A : memref<!tpu.dma_semaphore, #tpu.memory_space<semaphore_mem>>)
          %dma_wait3A = tpu.memref_slice %arg3[%mul3A_51] : memref<262144xf32, #tpu.memory_space<hbm>> -> memref<8192xf32, #tpu.memory_space<hbm>>
          %dma_wait3A_59 = tpu.memref_slice %arg3[%mul3A_51] : memref<262144xf32, #tpu.memory_space<hbm>> -> memref<8192xf32, #tpu.memory_space<hbm>>
          tpu.wait_dma2 semaphore(%run_scoped3A : memref<!tpu.dma_semaphore, #tpu.memory_space<semaphore_mem>>) src(%dma_wait3A_59 : memref<8192xf32, #tpu.memory_space<hbm>>) dst(%arg16 : memref<8192xf32, #tpu.memory_space<vmem>>)
          tpu.yield
        }) : () -> ()
        %scan3A_52 = arith.constant 0 : i32
        %scan3A_53 = arith.constant 0 : i32
        %scan3A_54 = arith.constant 512 : i32
        %scan3A_55 = arith.addi %scan3A_53, %scan3A_54 : i32
        %scan3A_56 = arith.constant 1 : i32
        scf.for %scan3A_58 = %scan3A_53 to %scan3A_55 step %scan3A_56  : i32 {
          %mul3A_59 = arith.constant 16 : i32
          %mul3A_60 = arith.muli %scan3A_58, %mul3A_59 : i32
          %get3A = arith.index_cast %mul3A_60 : i32 to index
          %get3A_61 = tpu.vector_load %arg15[%get3A] {strides = array<i32>} : memref<8192xi32, #tpu.memory_space<vmem>>, vector<16xi32>,
          %ge3A_62 = vector.broadcast %mul3A_2 : i32 to vector<16xi32>
          %ge3A_63 = arith.cmpi sge, %get3A_61, %ge3A_62 : vector<16xi32>
          %lt3A_64 = vector.broadcast %add3A_4 : i32 to vector<16xi32>
          %lt3A_65 = arith.cmpi slt, %get3A_61, %lt3A_64 : vector<16xi32>
          %and3A_66 = arith.andi %ge3A_63, %lt3A_65 : vector<16xi1>
          %mul3A_67 = arith.constant 16 : i32
          %mul3A_68 = arith.muli %scan3A_58, %mul3A_67 : i32
          %get3A_69 = arith.index_cast %mul3A_68 : i32 to index
          %get3A_70 = tpu.vector_load %arg16[%get3A_69] {strides = array<i32>} : memref<8192xf32, #tpu.memory_space<vmem>>, vector<16xf32>,
          %reduce_or3A = arith.constant 1.000000e+00 : f32
          %reduce_or3A_71 = arith.constant 0.000000e+00 : f32
          %reduce_or3A_72 = vector.broadcast %reduce_or3A : f32 to vector<16xf32>
          %reduce_or3A_73 = vector.broadcast %reduce_or3A_71 : f32 to vector<16xf32>
          %reduce_or3A_74 = arith.select %and3A_66, %reduce_or3A_72, %reduce_or3A_73 : vector<16xi1>, vector<16xf32>
          %reduce_or3A_75 = arith.constant true
          %reduce_or3A_76 = vector.broadcast %reduce_or3A_75 : i1 to vector<16xi1>
          %reduce_or3A_77 = tpu.scan <max>, %reduce_or3A_74 masked %reduce_or3A_76 : vector<16xf32>, vector<16xi1> -> vector<16xf32>
          %reduce_or3A_78 = vector.extract %reduce_or3A_77[15] : f32 from vector<16xf32>
          %reduce_or3A_79 = arith.constant 0.000000e+00 : f32
          %reduce_or3A_80 = arith.cmpf ogt, %reduce_or3A_78, %reduce_or3A_79 : f32
          %convert_element_type3A_81 = arith.extui %reduce_or3A_80 : i1 to i32
          %cond3A_82 = arith.constant 0 : i32
          %cond3A_83 = arith.cmpi ne, %convert_element_type3A_81, %cond3A_82 : i32
          scf.if %cond3A_83 {
            %sub3A_84 = vector.broadcast %mul3A_2 : i32 to vector<16xi32>
            %sub3A_85 = arith.subi %get3A_61, %sub3A_84 : vector<16xi32>
            %and3A_86 = arith.constant 8191 : i32
            %and3A_87 = vector.broadcast %and3A_86 : i32 to vector<16xi32>
            %and3A_88 = arith.andi %sub3A_85, %and3A_87 : vector<16xi32>
            %gather3A = tpu.vector_load_idx %arg12[%and3A_88] masked %and3A_66 : memref<8192xf32, #tpu.memory_space<vmem>>[vector<16xi32>], vector<16xf32>, vector<16xi1>
            %lt3A_89 = arith.cmpf olt, %get3A_70, %gather3A : vector<16xf32>
            %and3A_90 = arith.andi %and3A_66, %lt3A_89 : vector<16xi1>
            %while3A = scf.while (%while3A_91 = %and3A_90) : (vector<16xi1>) -> vector<16xi1> {
              %reduce_or3A_92 = arith.constant 1.000000e+00 : f32
              %reduce_or3A_93 = arith.constant 0.000000e+00 : f32
              %reduce_or3A_94 = vector.broadcast %reduce_or3A_92 : f32 to vector<16xf32>
              %reduce_or3A_95 = vector.broadcast %reduce_or3A_93 : f32 to vector<16xf32>
              %reduce_or3A_96 = arith.select %while3A_91, %reduce_or3A_94, %reduce_or3A_95 : vector<16xi1>, vector<16xf32>
              %reduce_or3A_97 = arith.constant true
              %reduce_or3A_98 = vector.broadcast %reduce_or3A_97 : i1 to vector<16xi1>
              %reduce_or3A_99 = tpu.scan <max>, %reduce_or3A_96 masked %reduce_or3A_98 : vector<16xf32>, vector<16xi1> -> vector<16xf32>
              %reduce_or3A_100 = vector.extract %reduce_or3A_99[15] : f32 from vector<16xf32>
              %reduce_or3A_101 = arith.constant 0.000000e+00 : f32
              %reduce_or3A_102 = arith.cmpf ogt, %reduce_or3A_100, %reduce_or3A_101 : f32
              scf.condition(%reduce_or3A_102) %while3A_91 : vector<16xi1>
            } do {
            ^bb0(%while3A_91: vector<16xi1>):
              tpu.vector_store_idx %arg12[%and3A_88], %get3A_70 masked %while3A_91 : memref<8192xf32, #tpu.memory_space<vmem>>[vector<16xi32>], vector<16xf32>, vector<16xi1>
              %gather3A_92 = tpu.vector_load_idx %arg12[%and3A_88] masked %while3A_91 : memref<8192xf32, #tpu.memory_space<vmem>>[vector<16xi32>], vector<16xf32>, vector<16xi1>
              %lt3A_93 = arith.cmpf olt, %get3A_70, %gather3A_92 : vector<16xf32>
              %and3A_94 = arith.andi %while3A_91, %lt3A_93 : vector<16xi1>
              scf.yield %and3A_94 : vector<16xi1>
            }
          } else {
          }
        }
        %scan3A_57 = arith.constant 512 : i32
      } else {
      }
    }
    %scan3A_21 = arith.constant 3 : i32
    %scan3A_22 = arith.constant 0 : i32
    %scan3A_23 = arith.constant 0 : i32
    %scan3A_24 = arith.constant 32 : i32
    %scan3A_25 = arith.addi %scan3A_23, %scan3A_24 : i32
    %scan3A_26 = arith.constant 1 : i32
    scf.for %scan3A_42 = %scan3A_23 to %scan3A_25 step %scan3A_26  : i32 {
      %mul3A_43 = arith.constant 16 : i32
      %mul3A_44 = arith.muli %scan3A_42, %mul3A_43 : i32
      %get3A = arith.index_cast %mul3A_44 : i32 to index
      %get3A_45 = tpu.vector_load %arg14[%get3A] {strides = array<i32>} : memref<512xi32, #tpu.memory_space<vmem>>, vector<16xi32>,
      %reduce_max3A = arith.constant true
      %reduce_max3A_46 = vector.broadcast %reduce_max3A : i1 to vector<16xi1>
      %reduce_max3A_47 = arith.constant -2147483648 : i32
      %reduce_max3A_48 = vector.broadcast %reduce_max3A_47 : i32 to vector<16xi32>
      %reduce_max3A_49 = arith.xori %get3A_45, %reduce_max3A_48 : vector<16xi32>
      %reduce_max3A_50 = tpu.scan <max>, %reduce_max3A_49 masked %reduce_max3A_46 : vector<16xi32>, vector<16xi1> -> vector<16xi32>
      %reduce_max3A_51 = arith.xori %reduce_max3A_50, %reduce_max3A_48 : vector<16xi32>
      %reduce_max3A_52 = vector.extract %reduce_max3A_51[15] : i32 from vector<16xi32>
      %scan3A_53 = arith.constant 0 : i32
      %scan3A_54 = arith.constant 0 : i32
      %scan3A_55 = arith.constant 8 : i32
      %scan3A_56 = arith.addi %scan3A_54, %scan3A_55 : i32
      %scan3A_57 = arith.constant 1 : i32
      scf.for %scan3A_59 = %scan3A_54 to %scan3A_56 step %scan3A_57  : i32 {
        %mul3A_60 = arith.constant 1024 : i32
        %mul3A_61 = arith.muli %scan3A_59, %mul3A_60 : i32
        %lt3A = arith.cmpi slt, %mul3A_61, %reduce_max3A_52 : i32
        %convert_element_type3A = arith.extui %lt3A : i1 to i32
        %cond3A = arith.constant 0 : i32
        %cond3A_62 = arith.cmpi ne, %convert_element_type3A, %cond3A : i32
        scf.if %cond3A_62 {
          %mul3A_63 = arith.constant 8192 : i32
          %mul3A_64 = arith.muli %scan3A_42, %mul3A_63 : i32
          %mul3A_65 = arith.constant 1024 : i32
          %mul3A_66 = arith.muli %scan3A_59, %mul3A_65 : i32
          %add3A_67 = arith.addi %mul3A_64, %mul3A_66 : i32
          "tpu.region"() ({
            %run_scoped3A = tpu.sem_alloc : memref<!tpu.dma_semaphore, #tpu.memory_space<semaphore_mem>>
            %dma_start3A = arith.constant 0 : i32
            %dma_start3A_74 = tpu.memref_slice %arg15[%dma_start3A] : memref<8192xi32, #tpu.memory_space<vmem>> -> memref<1024xi32, #tpu.memory_space<vmem>>
            %dma_start3A_75 = tpu.memref_slice %arg6[%add3A_67] : memref<262144xi32, #tpu.memory_space<hbm>> -> memref<1024xi32, #tpu.memory_space<hbm>>
            %dma_start3A_76 = arith.constant 0 : i32
            %dma_start3A_77 = tpu.memref_slice %arg15[%dma_start3A_76] : memref<8192xi32, #tpu.memory_space<vmem>> -> memref<1024xi32, #tpu.memory_space<vmem>>
            %dma_start3A_78 = tpu.memref_slice %arg6[%add3A_67] : memref<262144xi32, #tpu.memory_space<hbm>> -> memref<1024xi32, #tpu.memory_space<hbm>>
            tpu.enqueue_dma source(%dma_start3A_78 : memref<1024xi32, #tpu.memory_space<hbm>>) target(%dma_start3A_77 : memref<1024xi32, #tpu.memory_space<vmem>>) target_semaphore(%run_scoped3A : memref<!tpu.dma_semaphore, #tpu.memory_space<semaphore_mem>>)
            %dma_wait3A = arith.constant 0 : i32
            %dma_wait3A_79 = tpu.memref_slice %arg15[%dma_wait3A] : memref<8192xi32, #tpu.memory_space<vmem>> -> memref<1024xi32, #tpu.memory_space<vmem>>
            %dma_wait3A_80 = tpu.memref_slice %arg6[%add3A_67] : memref<262144xi32, #tpu.memory_space<hbm>> -> memref<1024xi32, #tpu.memory_space<hbm>>
            %dma_wait3A_81 = arith.constant 0 : i32
            %dma_wait3A_82 = tpu.memref_slice %arg15[%dma_wait3A_81] : memref<8192xi32, #tpu.memory_space<vmem>> -> memref<1024xi32, #tpu.memory_space<vmem>>
            %dma_wait3A_83 = tpu.memref_slice %arg6[%add3A_67] : memref<262144xi32, #tpu.memory_space<hbm>> -> memref<1024xi32, #tpu.memory_space<hbm>>
            tpu.wait_dma2 semaphore(%run_scoped3A : memref<!tpu.dma_semaphore, #tpu.memory_space<semaphore_mem>>) src(%dma_wait3A_83 : memref<1024xi32, #tpu.memory_space<hbm>>) dst(%dma_wait3A_82 : memref<1024xi32, #tpu.memory_space<vmem>>)
            tpu.yield
          }) : () -> ()
          "tpu.region"() ({
            %run_scoped3A = tpu.sem_alloc : memref<!tpu.dma_semaphore, #tpu.memory_space<semaphore_mem>>
            %dma_start3A = arith.constant 0 : i32
            %dma_start3A_74 = tpu.memref_slice %arg16[%dma_start3A] : memref<8192xf32, #tpu.memory_space<vmem>> -> memref<1024xf32, #tpu.memory_space<vmem>>
            %dma_start3A_75 = tpu.memref_slice %arg7[%add3A_67] : memref<262144xf32, #tpu.memory_space<hbm>> -> memref<1024xf32, #tpu.memory_space<hbm>>
            %dma_start3A_76 = arith.constant 0 : i32
            %dma_start3A_77 = tpu.memref_slice %arg16[%dma_start3A_76] : memref<8192xf32, #tpu.memory_space<vmem>> -> memref<1024xf32, #tpu.memory_space<vmem>>
            %dma_start3A_78 = tpu.memref_slice %arg7[%add3A_67] : memref<262144xf32, #tpu.memory_space<hbm>> -> memref<1024xf32, #tpu.memory_space<hbm>>
            tpu.enqueue_dma source(%dma_start3A_78 : memref<1024xf32, #tpu.memory_space<hbm>>) target(%dma_start3A_77 : memref<1024xf32, #tpu.memory_space<vmem>>) target_semaphore(%run_scoped3A : memref<!tpu.dma_semaphore, #tpu.memory_space<semaphore_mem>>)
            %dma_wait3A = arith.constant 0 : i32
            %dma_wait3A_79 = tpu.memref_slice %arg16[%dma_wait3A] : memref<8192xf32, #tpu.memory_space<vmem>> -> memref<1024xf32, #tpu.memory_space<vmem>>
            %dma_wait3A_80 = tpu.memref_slice %arg7[%add3A_67] : memref<262144xf32, #tpu.memory_space<hbm>> -> memref<1024xf32, #tpu.memory_space<hbm>>
            %dma_wait3A_81 = arith.constant 0 : i32
            %dma_wait3A_82 = tpu.memref_slice %arg16[%dma_wait3A_81] : memref<8192xf32, #tpu.memory_space<vmem>> -> memref<1024xf32, #tpu.memory_space<vmem>>
            %dma_wait3A_83 = tpu.memref_slice %arg7[%add3A_67] : memref<262144xf32, #tpu.memory_space<hbm>> -> memref<1024xf32, #tpu.memory_space<hbm>>
            tpu.wait_dma2 semaphore(%run_scoped3A : memref<!tpu.dma_semaphore, #tpu.memory_space<semaphore_mem>>) src(%dma_wait3A_83 : memref<1024xf32, #tpu.memory_space<hbm>>) dst(%dma_wait3A_82 : memref<1024xf32, #tpu.memory_space<vmem>>)
            tpu.yield
          }) : () -> ()
          %scan3A_68 = arith.constant 0 : i32
          %scan3A_69 = arith.constant 0 : i32
          %scan3A_70 = arith.constant 64 : i32
          %scan3A_71 = arith.addi %scan3A_69, %scan3A_70 : i32
          %scan3A_72 = arith.constant 1 : i32
          scf.for %scan3A_74 = %scan3A_69 to %scan3A_71 step %scan3A_72  : i32 {
            %mul3A_75 = arith.constant 16 : i32
            %mul3A_76 = arith.muli %scan3A_74, %mul3A_75 : i32
            %get3A_77 = arith.index_cast %mul3A_76 : i32 to index
            %get3A_78 = tpu.vector_load %arg15[%get3A_77] {strides = array<i32>} : memref<8192xi32, #tpu.memory_space<vmem>>, vector<16xi32>,
            %mul3A_79 = arith.constant 1024 : i32
            %mul3A_80 = arith.muli %scan3A_59, %mul3A_79 : i32
            %mul3A_81 = arith.constant 16 : i32
            %mul3A_82 = arith.muli %scan3A_74, %mul3A_81 : i32
            %add3A_83 = arith.addi %mul3A_80, %mul3A_82 : i32
            %add3A_84 = vector.broadcast %add3A_83 : i32 to vector<16xi32>
            %add3A_85 = arith.addi %add3A_84, %iota3A : vector<16xi32>
            %lt3A_86 = vector.broadcast %reduce_max3A_52 : i32 to vector<16xi32>
            %lt3A_87 = arith.cmpi slt, %add3A_85, %lt3A_86 : vector<16xi32>
            %ge3A = vector.broadcast %mul3A_2 : i32 to vector<16xi32>
            %ge3A_88 = arith.cmpi sge, %get3A_78, %ge3A : vector<16xi32>
            %and3A = arith.andi %lt3A_87, %ge3A_88 : vector<16xi1>
            %lt3A_89 = vector.broadcast %add3A_4 : i32 to vector<16xi32>
            %lt3A_90 = arith.cmpi slt, %get3A_78, %lt3A_89 : vector<16xi32>
            %and3A_91 = arith.andi %and3A, %lt3A_90 : vector<16xi1>
            %mul3A_92 = arith.constant 16 : i32
            %mul3A_93 = arith.muli %scan3A_74, %mul3A_92 : i32
            %get3A_94 = arith.index_cast %mul3A_93 : i32 to index
            %get3A_95 = tpu.vector_load %arg16[%get3A_94] {strides = array<i32>} : memref<8192xf32, #tpu.memory_space<vmem>>, vector<16xf32>,
            %reduce_or3A = arith.constant 1.000000e+00 : f32
            %reduce_or3A_96 = arith.constant 0.000000e+00 : f32
            %reduce_or3A_97 = vector.broadcast %reduce_or3A : f32 to vector<16xf32>
            %reduce_or3A_98 = vector.broadcast %reduce_or3A_96 : f32 to vector<16xf32>
            %reduce_or3A_99 = arith.select %and3A_91, %reduce_or3A_97, %reduce_or3A_98 : vector<16xi1>, vector<16xf32>
            %reduce_or3A_100 = arith.constant true
            %reduce_or3A_101 = vector.broadcast %reduce_or3A_100 : i1 to vector<16xi1>
            %reduce_or3A_102 = tpu.scan <max>, %reduce_or3A_99 masked %reduce_or3A_101 : vector<16xf32>, vector<16xi1> -> vector<16xf32>
            %reduce_or3A_103 = vector.extract %reduce_or3A_102[15] : f32 from vector<16xf32>
            %reduce_or3A_104 = arith.constant 0.000000e+00 : f32
            %reduce_or3A_105 = arith.cmpf ogt, %reduce_or3A_103, %reduce_or3A_104 : f32
            %convert_element_type3A_106 = arith.extui %reduce_or3A_105 : i1 to i32
            %cond3A_107 = arith.constant 0 : i32
            %cond3A_108 = arith.cmpi ne, %convert_element_type3A_106, %cond3A_107 : i32
            scf.if %cond3A_108 {
              %sub3A = vector.broadcast %mul3A_2 : i32 to vector<16xi32>
              %sub3A_109 = arith.subi %get3A_78, %sub3A : vector<16xi32>
              %and3A_110 = arith.constant 8191 : i32
              %and3A_111 = vector.broadcast %and3A_110 : i32 to vector<16xi32>
              %and3A_112 = arith.andi %sub3A_109, %and3A_111 : vector<16xi32>
              %gather3A = tpu.vector_load_idx %arg12[%and3A_112] masked %and3A_91 : memref<8192xf32, #tpu.memory_space<vmem>>[vector<16xi32>], vector<16xf32>, vector<16xi1>
              %lt3A_113 = arith.cmpf olt, %get3A_95, %gather3A : vector<16xf32>
              %and3A_114 = arith.andi %and3A_91, %lt3A_113 : vector<16xi1>
              %while3A = scf.while (%while3A_115 = %and3A_114) : (vector<16xi1>) -> vector<16xi1> {
                %reduce_or3A_116 = arith.constant 1.000000e+00 : f32
                %reduce_or3A_117 = arith.constant 0.000000e+00 : f32
                %reduce_or3A_118 = vector.broadcast %reduce_or3A_116 : f32 to vector<16xf32>
                %reduce_or3A_119 = vector.broadcast %reduce_or3A_117 : f32 to vector<16xf32>
                %reduce_or3A_120 = arith.select %while3A_115, %reduce_or3A_118, %reduce_or3A_119 : vector<16xi1>, vector<16xf32>
                %reduce_or3A_121 = arith.constant true
                %reduce_or3A_122 = vector.broadcast %reduce_or3A_121 : i1 to vector<16xi1>
                %reduce_or3A_123 = tpu.scan <max>, %reduce_or3A_120 masked %reduce_or3A_122 : vector<16xf32>, vector<16xi1> -> vector<16xf32>
                %reduce_or3A_124 = vector.extract %reduce_or3A_123[15] : f32 from vector<16xf32>
                %reduce_or3A_125 = arith.constant 0.000000e+00 : f32
                %reduce_or3A_126 = arith.cmpf ogt, %reduce_or3A_124, %reduce_or3A_125 : f32
                scf.condition(%reduce_or3A_126) %while3A_115 : vector<16xi1>
              } do {
              ^bb0(%while3A_115: vector<16xi1>):
                tpu.vector_store_idx %arg12[%and3A_112], %get3A_95 masked %while3A_115 : memref<8192xf32, #tpu.memory_space<vmem>>[vector<16xi32>], vector<16xf32>, vector<16xi1>
                %gather3A_116 = tpu.vector_load_idx %arg12[%and3A_112] masked %while3A_115 : memref<8192xf32, #tpu.memory_space<vmem>>[vector<16xi32>], vector<16xf32>, vector<16xi1>
                %lt3A_117 = arith.cmpf olt, %get3A_95, %gather3A_116 : vector<16xf32>
                %and3A_118 = arith.andi %while3A_115, %lt3A_117 : vector<16xi1>
                scf.yield %and3A_118 : vector<16xi1>
              }
            } else {
            }
          }
          %scan3A_73 = arith.constant 64 : i32
        } else {
        }
      }
      %scan3A_58 = arith.constant 8 : i32
    }
    %scan3A_27 = arith.constant 32 : i32
    %scan3A_28 = arith.constant 0 : i32
    %scan3A_29 = arith.constant 0 : i32
    %scan3A_30 = arith.constant 3 : i32
    %scan3A_31 = arith.addi %scan3A_29, %scan3A_30 : i32
    %scan3A_32 = arith.constant 1 : i32
    scf.for %scan3A_42 = %scan3A_29 to %scan3A_31 step %scan3A_32  : i32 {
      %add3A_43 = arith.addi %add3A, %scan3A_42 : i32
      %sub3A = arith.constant 1 : i32
      %sub3A_44 = arith.subi %add3A_43, %sub3A : i32
      %ge3A = arith.constant 0 : i32
      %ge3A_45 = arith.cmpi sge, %sub3A_44, %ge3A : i32
      %lt3A = arith.constant 32 : i32
      %lt3A_46 = arith.cmpi slt, %sub3A_44, %lt3A : i32
      %and3A = arith.andi %ge3A_45, %lt3A_46 : i1
      %convert_element_type3A = arith.extui %and3A : i1 to i32
      %cond3A = arith.constant 0 : i32
      %cond3A_47 = arith.cmpi ne, %convert_element_type3A, %cond3A : i32
      scf.if %cond3A_47 {
        %mul3A_48 = arith.constant 8192 : i32
        %mul3A_49 = arith.muli %sub3A_44, %mul3A_48 : i32
        "tpu.region"() ({
          %run_scoped3A = tpu.sem_alloc : memref<!tpu.dma_semaphore, #tpu.memory_space<semaphore_mem>>
          %dma_start3A = tpu.memref_slice %arg2[%mul3A_49] : memref<262144xi32, #tpu.memory_space<hbm>> -> memref<8192xi32, #tpu.memory_space<hbm>>
          %dma_start3A_62 = tpu.memref_slice %arg2[%mul3A_49] : memref<262144xi32, #tpu.memory_space<hbm>> -> memref<8192xi32, #tpu.memory_space<hbm>>
          tpu.enqueue_dma source(%dma_start3A_62 : memref<8192xi32, #tpu.memory_space<hbm>>) target(%arg15 : memref<8192xi32, #tpu.memory_space<vmem>>) target_semaphore(%run_scoped3A : memref<!tpu.dma_semaphore, #tpu.memory_space<semaphore_mem>>)
          %dma_wait3A = tpu.memref_slice %arg2[%mul3A_49] : memref<262144xi32, #tpu.memory_space<hbm>> -> memref<8192xi32, #tpu.memory_space<hbm>>
          %dma_wait3A_63 = tpu.memref_slice %arg2[%mul3A_49] : memref<262144xi32, #tpu.memory_space<hbm>> -> memref<8192xi32, #tpu.memory_space<hbm>>
          tpu.wait_dma2 semaphore(%run_scoped3A : memref<!tpu.dma_semaphore, #tpu.memory_space<semaphore_mem>>) src(%dma_wait3A_63 : memref<8192xi32, #tpu.memory_space<hbm>>) dst(%arg15 : memref<8192xi32, #tpu.memory_space<vmem>>)
          tpu.yield
        }) : () -> ()
        %mul3A_50 = arith.constant 8192 : i32
        %mul3A_51 = arith.muli %sub3A_44, %mul3A_50 : i32
        "tpu.region"() ({
          %run_scoped3A = tpu.sem_alloc : memref<!tpu.dma_semaphore, #tpu.memory_space<semaphore_mem>>
          %dma_start3A = tpu.memref_slice %arg3[%mul3A_51] : memref<262144xf32, #tpu.memory_space<hbm>> -> memref<8192xf32, #tpu.memory_space<hbm>>
          %dma_start3A_62 = tpu.memref_slice %arg3[%mul3A_51] : memref<262144xf32, #tpu.memory_space<hbm>> -> memref<8192xf32, #tpu.memory_space<hbm>>
          tpu.enqueue_dma source(%dma_start3A_62 : memref<8192xf32, #tpu.memory_space<hbm>>) target(%arg16 : memref<8192xf32, #tpu.memory_space<vmem>>) target_semaphore(%run_scoped3A : memref<!tpu.dma_semaphore, #tpu.memory_space<semaphore_mem>>)
          %dma_wait3A = tpu.memref_slice %arg3[%mul3A_51] : memref<262144xf32, #tpu.memory_space<hbm>> -> memref<8192xf32, #tpu.memory_space<hbm>>
          %dma_wait3A_63 = tpu.memref_slice %arg3[%mul3A_51] : memref<262144xf32, #tpu.memory_space<hbm>> -> memref<8192xf32, #tpu.memory_space<hbm>>
          tpu.wait_dma2 semaphore(%run_scoped3A : memref<!tpu.dma_semaphore, #tpu.memory_space<semaphore_mem>>) src(%dma_wait3A_63 : memref<8192xf32, #tpu.memory_space<hbm>>) dst(%arg16 : memref<8192xf32, #tpu.memory_space<vmem>>)
          tpu.yield
        }) : () -> ()
        %mul3A_52 = arith.constant 8192 : i32
        %mul3A_53 = arith.muli %sub3A_44, %mul3A_52 : i32
        %mul3A_54 = arith.constant 3 : i32
        %mul3A_55 = arith.muli %mul3A_53, %mul3A_54 : i32
        "tpu.region"() ({
          %run_scoped3A = tpu.sem_alloc : memref<!tpu.dma_semaphore, #tpu.memory_space<semaphore_mem>>
          %dma_start3A = tpu.memref_slice %arg4[%mul3A_55] : memref<786432xf32, #tpu.memory_space<hbm>> -> memref<24576xf32, #tpu.memory_space<hbm>>
          %dma_start3A_62 = tpu.memref_slice %arg4[%mul3A_55] : memref<786432xf32, #tpu.memory_space<hbm>> -> memref<24576xf32, #tpu.memory_space<hbm>>
          tpu.enqueue_dma source(%dma_start3A_62 : memref<24576xf32, #tpu.memory_space<hbm>>) target(%arg17 : memref<24576xf32, #tpu.memory_space<vmem>>) target_semaphore(%run_scoped3A : memref<!tpu.dma_semaphore, #tpu.memory_space<semaphore_mem>>)
          %dma_wait3A = tpu.memref_slice %arg4[%mul3A_55] : memref<786432xf32, #tpu.memory_space<hbm>> -> memref<24576xf32, #tpu.memory_space<hbm>>
          %dma_wait3A_63 = tpu.memref_slice %arg4[%mul3A_55] : memref<786432xf32, #tpu.memory_space<hbm>> -> memref<24576xf32, #tpu.memory_space<hbm>>
          tpu.wait_dma2 semaphore(%run_scoped3A : memref<!tpu.dma_semaphore, #tpu.memory_space<semaphore_mem>>) src(%dma_wait3A_63 : memref<24576xf32, #tpu.memory_space<hbm>>) dst(%arg17 : memref<24576xf32, #tpu.memory_space<vmem>>)
          tpu.yield
        }) : () -> ()
        %scan3A_56 = arith.constant 0 : i32
        %scan3A_57 = arith.constant 0 : i32
        %scan3A_58 = arith.constant 512 : i32
        %scan3A_59 = arith.addi %scan3A_57, %scan3A_58 : i32
        %scan3A_60 = arith.constant 1 : i32
        scf.for %scan3A_62 = %scan3A_57 to %scan3A_59 step %scan3A_60  : i32 {
          %mul3A_63 = arith.constant 16 : i32
          %mul3A_64 = arith.muli %scan3A_62, %mul3A_63 : i32
          %get3A = arith.index_cast %mul3A_64 : i32 to index
          %get3A_65 = tpu.vector_load %arg15[%get3A] {strides = array<i32>} : memref<8192xi32, #tpu.memory_space<vmem>>, vector<16xi32>,
          %ge3A_66 = vector.broadcast %mul3A_2 : i32 to vector<16xi32>
          %ge3A_67 = arith.cmpi sge, %get3A_65, %ge3A_66 : vector<16xi32>
          %lt3A_68 = vector.broadcast %add3A_4 : i32 to vector<16xi32>
          %lt3A_69 = arith.cmpi slt, %get3A_65, %lt3A_68 : vector<16xi32>
          %and3A_70 = arith.andi %ge3A_67, %lt3A_69 : vector<16xi1>
          %mul3A_71 = arith.constant 16 : i32
          %mul3A_72 = arith.muli %scan3A_62, %mul3A_71 : i32
          %get3A_73 = arith.index_cast %mul3A_72 : i32 to index
          %get3A_74 = tpu.vector_load %arg16[%get3A_73] {strides = array<i32>} : memref<8192xf32, #tpu.memory_space<vmem>>, vector<16xf32>,
          %mul3A_75 = arith.constant 16 : i32
          %mul3A_76 = arith.muli %scan3A_62, %mul3A_75 : i32
          %add3A_77 = vector.broadcast %mul3A_76 : i32 to vector<16xi32>
          %add3A_78 = arith.addi %add3A_77, %iota3A : vector<16xi32>
          %mul3A_79 = arith.constant 3 : i32
          %mul3A_80 = vector.broadcast %mul3A_79 : i32 to vector<16xi32>
          %mul3A_81 = arith.muli %add3A_78, %mul3A_80 : vector<16xi32>
          %reduce_or3A = arith.constant 1.000000e+00 : f32
          %reduce_or3A_82 = arith.constant 0.000000e+00 : f32
          %reduce_or3A_83 = vector.broadcast %reduce_or3A : f32 to vector<16xf32>
          %reduce_or3A_84 = vector.broadcast %reduce_or3A_82 : f32 to vector<16xf32>
          %reduce_or3A_85 = arith.select %and3A_70, %reduce_or3A_83, %reduce_or3A_84 : vector<16xi1>, vector<16xf32>
          %reduce_or3A_86 = arith.constant true
          %reduce_or3A_87 = vector.broadcast %reduce_or3A_86 : i1 to vector<16xi1>
          %reduce_or3A_88 = tpu.scan <max>, %reduce_or3A_85 masked %reduce_or3A_87 : vector<16xf32>, vector<16xi1> -> vector<16xf32>
          %reduce_or3A_89 = vector.extract %reduce_or3A_88[15] : f32 from vector<16xf32>
          %reduce_or3A_90 = arith.constant 0.000000e+00 : f32
          %reduce_or3A_91 = arith.cmpf ogt, %reduce_or3A_89, %reduce_or3A_90 : f32
          %convert_element_type3A_92 = arith.extui %reduce_or3A_91 : i1 to i32
          %cond3A_93 = arith.constant 0 : i32
          %cond3A_94 = arith.cmpi ne, %convert_element_type3A_92, %cond3A_93 : i32
          scf.if %cond3A_94 {
            %sub3A_95 = vector.broadcast %mul3A_2 : i32 to vector<16xi32>
            %sub3A_96 = arith.subi %get3A_65, %sub3A_95 : vector<16xi32>
            %and3A_97 = arith.constant 8191 : i32
            %and3A_98 = vector.broadcast %and3A_97 : i32 to vector<16xi32>
            %and3A_99 = arith.andi %sub3A_96, %and3A_98 : vector<16xi32>
            %gather3A = tpu.vector_load_idx %arg12[%and3A_99] masked %and3A_70 : memref<8192xf32, #tpu.memory_space<vmem>>[vector<16xi32>], vector<16xf32>, vector<16xi1>
            %eq3A = arith.cmpf oeq, %get3A_74, %gather3A : vector<16xf32>
            %and3A_100 = arith.andi %and3A_70, %eq3A : vector<16xi1>
            %reduce_or3A_101 = arith.constant 1.000000e+00 : f32
            %reduce_or3A_102 = arith.constant 0.000000e+00 : f32
            %reduce_or3A_103 = vector.broadcast %reduce_or3A_101 : f32 to vector<16xf32>
            %reduce_or3A_104 = vector.broadcast %reduce_or3A_102 : f32 to vector<16xf32>
            %reduce_or3A_105 = arith.select %and3A_100, %reduce_or3A_103, %reduce_or3A_104 : vector<16xi1>, vector<16xf32>
            %reduce_or3A_106 = arith.constant true
            %reduce_or3A_107 = vector.broadcast %reduce_or3A_106 : i1 to vector<16xi1>
            %reduce_or3A_108 = tpu.scan <max>, %reduce_or3A_105 masked %reduce_or3A_107 : vector<16xf32>, vector<16xi1> -> vector<16xf32>
            %reduce_or3A_109 = vector.extract %reduce_or3A_108[15] : f32 from vector<16xf32>
            %reduce_or3A_110 = arith.constant 0.000000e+00 : f32
            %reduce_or3A_111 = arith.cmpf ogt, %reduce_or3A_109, %reduce_or3A_110 : f32
            %convert_element_type3A_112 = arith.extui %reduce_or3A_111 : i1 to i32
            %cond3A_113 = arith.constant 0 : i32
            %cond3A_114 = arith.cmpi ne, %convert_element_type3A_112, %cond3A_113 : i32
            scf.if %cond3A_114 {
              %mul3A_115 = arith.constant 3 : i32
              %mul3A_116 = vector.broadcast %mul3A_115 : i32 to vector<16xi32>
              %mul3A_117 = arith.muli %and3A_99, %mul3A_116 : vector<16xi32>
              %add3A_118 = arith.constant 0 : i32
              %add3A_119 = vector.broadcast %add3A_118 : i32 to vector<16xi32>
              %add3A_120 = arith.addi %mul3A_81, %add3A_119 : vector<16xi32>
              %gather3A_121 = tpu.vector_load_idx %arg17[%add3A_120] masked %and3A_100 : memref<24576xf32, #tpu.memory_space<vmem>>[vector<16xi32>], vector<16xf32>, vector<16xi1>
              %add3A_122 = arith.constant 0 : i32
              %add3A_123 = vector.broadcast %add3A_122 : i32 to vector<16xi32>
              %add3A_124 = arith.addi %mul3A_117, %add3A_123 : vector<16xi32>
              tpu.vector_store_idx %arg13[%add3A_124], %gather3A_121 masked %and3A_100 : memref<24576xf32, #tpu.memory_space<vmem>>[vector<16xi32>], vector<16xf32>, vector<16xi1>
              %add3A_125 = arith.constant 1 : i32
              %add3A_126 = vector.broadcast %add3A_125 : i32 to vector<16xi32>
              %add3A_127 = arith.addi %mul3A_81, %add3A_126 : vector<16xi32>
              %gather3A_128 = tpu.vector_load_idx %arg17[%add3A_127] masked %and3A_100 : memref<24576xf32, #tpu.memory_space<vmem>>[vector<16xi32>], vector<16xf32>, vector<16xi1>
              %add3A_129 = arith.constant 1 : i32
              %add3A_130 = vector.broadcast %add3A_129 : i32 to vector<16xi32>
              %add3A_131 = arith.addi %mul3A_117, %add3A_130 : vector<16xi32>
              tpu.vector_store_idx %arg13[%add3A_131], %gather3A_128 masked %and3A_100 : memref<24576xf32, #tpu.memory_space<vmem>>[vector<16xi32>], vector<16xf32>, vector<16xi1>
              %add3A_132 = arith.constant 2 : i32
              %add3A_133 = vector.broadcast %add3A_132 : i32 to vector<16xi32>
              %add3A_134 = arith.addi %mul3A_81, %add3A_133 : vector<16xi32>
              %gather3A_135 = tpu.vector_load_idx %arg17[%add3A_134] masked %and3A_100 : memref<24576xf32, #tpu.memory_space<vmem>>[vector<16xi32>], vector<16xf32>, vector<16xi1>
              %add3A_136 = arith.constant 2 : i32
              %add3A_137 = vector.broadcast %add3A_136 : i32 to vector<16xi32>
              %add3A_138 = arith.addi %mul3A_117, %add3A_137 : vector<16xi32>
              tpu.vector_store_idx %arg13[%add3A_138], %gather3A_135 masked %and3A_100 : memref<24576xf32, #tpu.memory_space<vmem>>[vector<16xi32>], vector<16xf32>, vector<16xi1>
            } else {
            }
          } else {
          }
        }
        %scan3A_61 = arith.constant 512 : i32
      } else {
      }
    }
    %scan3A_33 = arith.constant 3 : i32
    %scan3A_34 = arith.constant 0 : i32
    %scan3A_35 = arith.constant 0 : i32
    %scan3A_36 = arith.constant 32 : i32
    %scan3A_37 = arith.addi %scan3A_35, %scan3A_36 : i32
    %scan3A_38 = arith.constant 1 : i32
    scf.for %scan3A_42 = %scan3A_35 to %scan3A_37 step %scan3A_38  : i32 {
      %mul3A_43 = arith.constant 16 : i32
      %mul3A_44 = arith.muli %scan3A_42, %mul3A_43 : i32
      %get3A = arith.index_cast %mul3A_44 : i32 to index
      %get3A_45 = tpu.vector_load %arg14[%get3A] {strides = array<i32>} : memref<512xi32, #tpu.memory_space<vmem>>, vector<16xi32>,
      %reduce_max3A = arith.constant true
      %reduce_max3A_46 = vector.broadcast %reduce_max3A : i1 to vector<16xi1>
      %reduce_max3A_47 = arith.constant -2147483648 : i32
      %reduce_max3A_48 = vector.broadcast %reduce_max3A_47 : i32 to vector<16xi32>
      %reduce_max3A_49 = arith.xori %get3A_45, %reduce_max3A_48 : vector<16xi32>
      %reduce_max3A_50 = tpu.scan <max>, %reduce_max3A_49 masked %reduce_max3A_46 : vector<16xi32>, vector<16xi1> -> vector<16xi32>
      %reduce_max3A_51 = arith.xori %reduce_max3A_50, %reduce_max3A_48 : vector<16xi32>
      %reduce_max3A_52 = vector.extract %reduce_max3A_51[15] : i32 from vector<16xi32>
      %scan3A_53 = arith.constant 0 : i32
      %scan3A_54 = arith.constant 0 : i32
      %scan3A_55 = arith.constant 8 : i32
      %scan3A_56 = arith.addi %scan3A_54, %scan3A_55 : i32
      %scan3A_57 = arith.constant 1 : i32
      scf.for %scan3A_59 = %scan3A_54 to %scan3A_56 step %scan3A_57  : i32 {
        %mul3A_60 = arith.constant 1024 : i32
        %mul3A_61 = arith.muli %scan3A_59, %mul3A_60 : i32
        %lt3A = arith.cmpi slt, %mul3A_61, %reduce_max3A_52 : i32
        %convert_element_type3A = arith.extui %lt3A : i1 to i32
        %cond3A = arith.constant 0 : i32
        %cond3A_62 = arith.cmpi ne, %convert_element_type3A, %cond3A : i32
        scf.if %cond3A_62 {
          %mul3A_63 = arith.constant 8192 : i32
          %mul3A_64 = arith.muli %scan3A_42, %mul3A_63 : i32
          %mul3A_65 = arith.constant 1024 : i32
          %mul3A_66 = arith.muli %scan3A_59, %mul3A_65 : i32
          %add3A_67 = arith.addi %mul3A_64, %mul3A_66 : i32
          "tpu.region"() ({
            %run_scoped3A = tpu.sem_alloc : memref<!tpu.dma_semaphore, #tpu.memory_space<semaphore_mem>>
            %dma_start3A = arith.constant 0 : i32
            %dma_start3A_74 = tpu.memref_slice %arg15[%dma_start3A] : memref<8192xi32, #tpu.memory_space<vmem>> -> memref<1024xi32, #tpu.memory_space<vmem>>
            %dma_start3A_75 = tpu.memref_slice %arg6[%add3A_67] : memref<262144xi32, #tpu.memory_space<hbm>> -> memref<1024xi32, #tpu.memory_space<hbm>>
            %dma_start3A_76 = arith.constant 0 : i32
            %dma_start3A_77 = tpu.memref_slice %arg15[%dma_start3A_76] : memref<8192xi32, #tpu.memory_space<vmem>> -> memref<1024xi32, #tpu.memory_space<vmem>>
            %dma_start3A_78 = tpu.memref_slice %arg6[%add3A_67] : memref<262144xi32, #tpu.memory_space<hbm>> -> memref<1024xi32, #tpu.memory_space<hbm>>
            tpu.enqueue_dma source(%dma_start3A_78 : memref<1024xi32, #tpu.memory_space<hbm>>) target(%dma_start3A_77 : memref<1024xi32, #tpu.memory_space<vmem>>) target_semaphore(%run_scoped3A : memref<!tpu.dma_semaphore, #tpu.memory_space<semaphore_mem>>)
            %dma_wait3A = arith.constant 0 : i32
            %dma_wait3A_79 = tpu.memref_slice %arg15[%dma_wait3A] : memref<8192xi32, #tpu.memory_space<vmem>> -> memref<1024xi32, #tpu.memory_space<vmem>>
            %dma_wait3A_80 = tpu.memref_slice %arg6[%add3A_67] : memref<262144xi32, #tpu.memory_space<hbm>> -> memref<1024xi32, #tpu.memory_space<hbm>>
            %dma_wait3A_81 = arith.constant 0 : i32
            %dma_wait3A_82 = tpu.memref_slice %arg15[%dma_wait3A_81] : memref<8192xi32, #tpu.memory_space<vmem>> -> memref<1024xi32, #tpu.memory_space<vmem>>
            %dma_wait3A_83 = tpu.memref_slice %arg6[%add3A_67] : memref<262144xi32, #tpu.memory_space<hbm>> -> memref<1024xi32, #tpu.memory_space<hbm>>
            tpu.wait_dma2 semaphore(%run_scoped3A : memref<!tpu.dma_semaphore, #tpu.memory_space<semaphore_mem>>) src(%dma_wait3A_83 : memref<1024xi32, #tpu.memory_space<hbm>>) dst(%dma_wait3A_82 : memref<1024xi32, #tpu.memory_space<vmem>>)
            tpu.yield
          }) : () -> ()
          "tpu.region"() ({
            %run_scoped3A = tpu.sem_alloc : memref<!tpu.dma_semaphore, #tpu.memory_space<semaphore_mem>>
            %dma_start3A = arith.constant 0 : i32
            %dma_start3A_74 = tpu.memref_slice %arg16[%dma_start3A] : memref<8192xf32, #tpu.memory_space<vmem>> -> memref<1024xf32, #tpu.memory_space<vmem>>
            %dma_start3A_75 = tpu.memref_slice %arg7[%add3A_67] : memref<262144xf32, #tpu.memory_space<hbm>> -> memref<1024xf32, #tpu.memory_space<hbm>>
            %dma_start3A_76 = arith.constant 0 : i32
            %dma_start3A_77 = tpu.memref_slice %arg16[%dma_start3A_76] : memref<8192xf32, #tpu.memory_space<vmem>> -> memref<1024xf32, #tpu.memory_space<vmem>>
            %dma_start3A_78 = tpu.memref_slice %arg7[%add3A_67] : memref<262144xf32, #tpu.memory_space<hbm>> -> memref<1024xf32, #tpu.memory_space<hbm>>
            tpu.enqueue_dma source(%dma_start3A_78 : memref<1024xf32, #tpu.memory_space<hbm>>) target(%dma_start3A_77 : memref<1024xf32, #tpu.memory_space<vmem>>) target_semaphore(%run_scoped3A : memref<!tpu.dma_semaphore, #tpu.memory_space<semaphore_mem>>)
            %dma_wait3A = arith.constant 0 : i32
            %dma_wait3A_79 = tpu.memref_slice %arg16[%dma_wait3A] : memref<8192xf32, #tpu.memory_space<vmem>> -> memref<1024xf32, #tpu.memory_space<vmem>>
            %dma_wait3A_80 = tpu.memref_slice %arg7[%add3A_67] : memref<262144xf32, #tpu.memory_space<hbm>> -> memref<1024xf32, #tpu.memory_space<hbm>>
            %dma_wait3A_81 = arith.constant 0 : i32
            %dma_wait3A_82 = tpu.memref_slice %arg16[%dma_wait3A_81] : memref<8192xf32, #tpu.memory_space<vmem>> -> memref<1024xf32, #tpu.memory_space<vmem>>
            %dma_wait3A_83 = tpu.memref_slice %arg7[%add3A_67] : memref<262144xf32, #tpu.memory_space<hbm>> -> memref<1024xf32, #tpu.memory_space<hbm>>
            tpu.wait_dma2 semaphore(%run_scoped3A : memref<!tpu.dma_semaphore, #tpu.memory_space<semaphore_mem>>) src(%dma_wait3A_83 : memref<1024xf32, #tpu.memory_space<hbm>>) dst(%dma_wait3A_82 : memref<1024xf32, #tpu.memory_space<vmem>>)
            tpu.yield
          }) : () -> ()
          "tpu.region"() ({
            %run_scoped3A = tpu.sem_alloc : memref<!tpu.dma_semaphore, #tpu.memory_space<semaphore_mem>>
            %dma_start3A = arith.constant 0 : i32
            %dma_start3A_74 = tpu.memref_slice %arg17[%dma_start3A] : memref<24576xf32, #tpu.memory_space<vmem>> -> memref<1024xf32, #tpu.memory_space<vmem>>
            %dma_start3A_75 = tpu.memref_slice %arg8[%add3A_67] : memref<262144xf32, #tpu.memory_space<hbm>> -> memref<1024xf32, #tpu.memory_space<hbm>>
            %dma_start3A_76 = arith.constant 0 : i32
            %dma_start3A_77 = tpu.memref_slice %arg17[%dma_start3A_76] : memref<24576xf32, #tpu.memory_space<vmem>> -> memref<1024xf32, #tpu.memory_space<vmem>>
            %dma_start3A_78 = tpu.memref_slice %arg8[%add3A_67] : memref<262144xf32, #tpu.memory_space<hbm>> -> memref<1024xf32, #tpu.memory_space<hbm>>
            tpu.enqueue_dma source(%dma_start3A_78 : memref<1024xf32, #tpu.memory_space<hbm>>) target(%dma_start3A_77 : memref<1024xf32, #tpu.memory_space<vmem>>) target_semaphore(%run_scoped3A : memref<!tpu.dma_semaphore, #tpu.memory_space<semaphore_mem>>)
            %dma_wait3A = arith.constant 0 : i32
            %dma_wait3A_79 = tpu.memref_slice %arg17[%dma_wait3A] : memref<24576xf32, #tpu.memory_space<vmem>> -> memref<1024xf32, #tpu.memory_space<vmem>>
            %dma_wait3A_80 = tpu.memref_slice %arg8[%add3A_67] : memref<262144xf32, #tpu.memory_space<hbm>> -> memref<1024xf32, #tpu.memory_space<hbm>>
            %dma_wait3A_81 = arith.constant 0 : i32
            %dma_wait3A_82 = tpu.memref_slice %arg17[%dma_wait3A_81] : memref<24576xf32, #tpu.memory_space<vmem>> -> memref<1024xf32, #tpu.memory_space<vmem>>
            %dma_wait3A_83 = tpu.memref_slice %arg8[%add3A_67] : memref<262144xf32, #tpu.memory_space<hbm>> -> memref<1024xf32, #tpu.memory_space<hbm>>
            tpu.wait_dma2 semaphore(%run_scoped3A : memref<!tpu.dma_semaphore, #tpu.memory_space<semaphore_mem>>) src(%dma_wait3A_83 : memref<1024xf32, #tpu.memory_space<hbm>>) dst(%dma_wait3A_82 : memref<1024xf32, #tpu.memory_space<vmem>>)
            tpu.yield
          }) : () -> ()
          "tpu.region"() ({
            %run_scoped3A = tpu.sem_alloc : memref<!tpu.dma_semaphore, #tpu.memory_space<semaphore_mem>>
            %dma_start3A = arith.constant 1024 : i32
            %dma_start3A_74 = tpu.memref_slice %arg17[%dma_start3A] : memref<24576xf32, #tpu.memory_space<vmem>> -> memref<1024xf32, #tpu.memory_space<vmem>>
            %dma_start3A_75 = tpu.memref_slice %arg9[%add3A_67] : memref<262144xf32, #tpu.memory_space<hbm>> -> memref<1024xf32, #tpu.memory_space<hbm>>
            %dma_start3A_76 = arith.constant 1024 : i32
            %dma_start3A_77 = tpu.memref_slice %arg17[%dma_start3A_76] : memref<24576xf32, #tpu.memory_space<vmem>> -> memref<1024xf32, #tpu.memory_space<vmem>>
            %dma_start3A_78 = tpu.memref_slice %arg9[%add3A_67] : memref<262144xf32, #tpu.memory_space<hbm>> -> memref<1024xf32, #tpu.memory_space<hbm>>
            tpu.enqueue_dma source(%dma_start3A_78 : memref<1024xf32, #tpu.memory_space<hbm>>) target(%dma_start3A_77 : memref<1024xf32, #tpu.memory_space<vmem>>) target_semaphore(%run_scoped3A : memref<!tpu.dma_semaphore, #tpu.memory_space<semaphore_mem>>)
            %dma_wait3A = arith.constant 1024 : i32
            %dma_wait3A_79 = tpu.memref_slice %arg17[%dma_wait3A] : memref<24576xf32, #tpu.memory_space<vmem>> -> memref<1024xf32, #tpu.memory_space<vmem>>
            %dma_wait3A_80 = tpu.memref_slice %arg9[%add3A_67] : memref<262144xf32, #tpu.memory_space<hbm>> -> memref<1024xf32, #tpu.memory_space<hbm>>
            %dma_wait3A_81 = arith.constant 1024 : i32
            %dma_wait3A_82 = tpu.memref_slice %arg17[%dma_wait3A_81] : memref<24576xf32, #tpu.memory_space<vmem>> -> memref<1024xf32, #tpu.memory_space<vmem>>
            %dma_wait3A_83 = tpu.memref_slice %arg9[%add3A_67] : memref<262144xf32, #tpu.memory_space<hbm>> -> memref<1024xf32, #tpu.memory_space<hbm>>
            tpu.wait_dma2 semaphore(%run_scoped3A : memref<!tpu.dma_semaphore, #tpu.memory_space<semaphore_mem>>) src(%dma_wait3A_83 : memref<1024xf32, #tpu.memory_space<hbm>>) dst(%dma_wait3A_82 : memref<1024xf32, #tpu.memory_space<vmem>>)
            tpu.yield
          }) : () -> ()
          "tpu.region"() ({
            %run_scoped3A = tpu.sem_alloc : memref<!tpu.dma_semaphore, #tpu.memory_space<semaphore_mem>>
            %dma_start3A = arith.constant 2048 : i32
            %dma_start3A_74 = tpu.memref_slice %arg17[%dma_start3A] : memref<24576xf32, #tpu.memory_space<vmem>> -> memref<1024xf32, #tpu.memory_space<vmem>>
            %dma_start3A_75 = tpu.memref_slice %arg10[%add3A_67] : memref<262144xf32, #tpu.memory_space<hbm>> -> memref<1024xf32, #tpu.memory_space<hbm>>
            %dma_start3A_76 = arith.constant 2048 : i32
            %dma_start3A_77 = tpu.memref_slice %arg17[%dma_start3A_76] : memref<24576xf32, #tpu.memory_space<vmem>> -> memref<1024xf32, #tpu.memory_space<vmem>>
            %dma_start3A_78 = tpu.memref_slice %arg10[%add3A_67] : memref<262144xf32, #tpu.memory_space<hbm>> -> memref<1024xf32, #tpu.memory_space<hbm>>
            tpu.enqueue_dma source(%dma_start3A_78 : memref<1024xf32, #tpu.memory_space<hbm>>) target(%dma_start3A_77 : memref<1024xf32, #tpu.memory_space<vmem>>) target_semaphore(%run_scoped3A : memref<!tpu.dma_semaphore, #tpu.memory_space<semaphore_mem>>)
            %dma_wait3A = arith.constant 2048 : i32
            %dma_wait3A_79 = tpu.memref_slice %arg17[%dma_wait3A] : memref<24576xf32, #tpu.memory_space<vmem>> -> memref<1024xf32, #tpu.memory_space<vmem>>
            %dma_wait3A_80 = tpu.memref_slice %arg10[%add3A_67] : memref<262144xf32, #tpu.memory_space<hbm>> -> memref<1024xf32, #tpu.memory_space<hbm>>
            %dma_wait3A_81 = arith.constant 2048 : i32
            %dma_wait3A_82 = tpu.memref_slice %arg17[%dma_wait3A_81] : memref<24576xf32, #tpu.memory_space<vmem>> -> memref<1024xf32, #tpu.memory_space<vmem>>
            %dma_wait3A_83 = tpu.memref_slice %arg10[%add3A_67] : memref<262144xf32, #tpu.memory_space<hbm>> -> memref<1024xf32, #tpu.memory_space<hbm>>
            tpu.wait_dma2 semaphore(%run_scoped3A : memref<!tpu.dma_semaphore, #tpu.memory_space<semaphore_mem>>) src(%dma_wait3A_83 : memref<1024xf32, #tpu.memory_space<hbm>>) dst(%dma_wait3A_82 : memref<1024xf32, #tpu.memory_space<vmem>>)
            tpu.yield
          }) : () -> ()
          %scan3A_68 = arith.constant 0 : i32
          %scan3A_69 = arith.constant 0 : i32
          %scan3A_70 = arith.constant 64 : i32
          %scan3A_71 = arith.addi %scan3A_69, %scan3A_70 : i32
          %scan3A_72 = arith.constant 1 : i32
          scf.for %scan3A_74 = %scan3A_69 to %scan3A_71 step %scan3A_72  : i32 {
            %mul3A_75 = arith.constant 16 : i32
            %mul3A_76 = arith.muli %scan3A_74, %mul3A_75 : i32
            %get3A_77 = arith.index_cast %mul3A_76 : i32 to index
            %get3A_78 = tpu.vector_load %arg15[%get3A_77] {strides = array<i32>} : memref<8192xi32, #tpu.memory_space<vmem>>, vector<16xi32>,
            %mul3A_79 = arith.constant 16 : i32
            %mul3A_80 = arith.muli %scan3A_74, %mul3A_79 : i32
            %get3A_81 = arith.index_cast %mul3A_80 : i32 to index
            %get3A_82 = tpu.vector_load %arg16[%get3A_81] {strides = array<i32>} : memref<8192xf32, #tpu.memory_space<vmem>>, vector<16xf32>,
            %mul3A_83 = arith.constant 1024 : i32
            %mul3A_84 = arith.muli %scan3A_59, %mul3A_83 : i32
            %mul3A_85 = arith.constant 16 : i32
            %mul3A_86 = arith.muli %scan3A_74, %mul3A_85 : i32
            %add3A_87 = arith.addi %mul3A_84, %mul3A_86 : i32
            %add3A_88 = vector.broadcast %add3A_87 : i32 to vector<16xi32>
            %add3A_89 = arith.addi %add3A_88, %iota3A : vector<16xi32>
            %lt3A_90 = vector.broadcast %reduce_max3A_52 : i32 to vector<16xi32>
            %lt3A_91 = arith.cmpi slt, %add3A_89, %lt3A_90 : vector<16xi32>
            %ge3A = vector.broadcast %mul3A_2 : i32 to vector<16xi32>
            %ge3A_92 = arith.cmpi sge, %get3A_78, %ge3A : vector<16xi32>
            %and3A = arith.andi %lt3A_91, %ge3A_92 : vector<16xi1>
            %lt3A_93 = vector.broadcast %add3A_4 : i32 to vector<16xi32>
            %lt3A_94 = arith.cmpi slt, %get3A_78, %lt3A_93 : vector<16xi32>
            %and3A_95 = arith.andi %and3A, %lt3A_94 : vector<16xi1>
            %reduce_or3A = arith.constant 1.000000e+00 : f32
            %reduce_or3A_96 = arith.constant 0.000000e+00 : f32
            %reduce_or3A_97 = vector.broadcast %reduce_or3A : f32 to vector<16xf32>
            %reduce_or3A_98 = vector.broadcast %reduce_or3A_96 : f32 to vector<16xf32>
            %reduce_or3A_99 = arith.select %and3A_95, %reduce_or3A_97, %reduce_or3A_98 : vector<16xi1>, vector<16xf32>
            %reduce_or3A_100 = arith.constant true
            %reduce_or3A_101 = vector.broadcast %reduce_or3A_100 : i1 to vector<16xi1>
            %reduce_or3A_102 = tpu.scan <max>, %reduce_or3A_99 masked %reduce_or3A_101 : vector<16xf32>, vector<16xi1> -> vector<16xf32>
            %reduce_or3A_103 = vector.extract %reduce_or3A_102[15] : f32 from vector<16xf32>
            %reduce_or3A_104 = arith.constant 0.000000e+00 : f32
            %reduce_or3A_105 = arith.cmpf ogt, %reduce_or3A_103, %reduce_or3A_104 : f32
            %convert_element_type3A_106 = arith.extui %reduce_or3A_105 : i1 to i32
            %cond3A_107 = arith.constant 0 : i32
            %cond3A_108 = arith.cmpi ne, %convert_element_type3A_106, %cond3A_107 : i32
            scf.if %cond3A_108 {
              %sub3A = vector.broadcast %mul3A_2 : i32 to vector<16xi32>
              %sub3A_109 = arith.subi %get3A_78, %sub3A : vector<16xi32>
              %and3A_110 = arith.constant 8191 : i32
              %and3A_111 = vector.broadcast %and3A_110 : i32 to vector<16xi32>
              %and3A_112 = arith.andi %sub3A_109, %and3A_111 : vector<16xi32>
              %gather3A = tpu.vector_load_idx %arg12[%and3A_112] masked %and3A_95 : memref<8192xf32, #tpu.memory_space<vmem>>[vector<16xi32>], vector<16xf32>, vector<16xi1>
              %eq3A = arith.cmpf oeq, %get3A_82, %gather3A : vector<16xf32>
              %and3A_113 = arith.andi %and3A_95, %eq3A : vector<16xi1>
              %reduce_or3A_114 = arith.constant 1.000000e+00 : f32
              %reduce_or3A_115 = arith.constant 0.000000e+00 : f32
              %reduce_or3A_116 = vector.broadcast %reduce_or3A_114 : f32 to vector<16xf32>
              %reduce_or3A_117 = vector.broadcast %reduce_or3A_115 : f32 to vector<16xf32>
              %reduce_or3A_118 = arith.select %and3A_113, %reduce_or3A_116, %reduce_or3A_117 : vector<16xi1>, vector<16xf32>
              %reduce_or3A_119 = arith.constant true
              %reduce_or3A_120 = vector.broadcast %reduce_or3A_119 : i1 to vector<16xi1>
              %reduce_or3A_121 = tpu.scan <max>, %reduce_or3A_118 masked %reduce_or3A_120 : vector<16xf32>, vector<16xi1> -> vector<16xf32>
              %reduce_or3A_122 = vector.extract %reduce_or3A_121[15] : f32 from vector<16xf32>
              %reduce_or3A_123 = arith.constant 0.000000e+00 : f32
              %reduce_or3A_124 = arith.cmpf ogt, %reduce_or3A_122, %reduce_or3A_123 : f32
              %convert_element_type3A_125 = arith.extui %reduce_or3A_124 : i1 to i32
              %cond3A_126 = arith.constant 0 : i32
              %cond3A_127 = arith.cmpi ne, %convert_element_type3A_125, %cond3A_126 : i32
              scf.if %cond3A_127 {
                %mul3A_128 = arith.constant 3 : i32
                %mul3A_129 = vector.broadcast %mul3A_128 : i32 to vector<16xi32>
                %mul3A_130 = arith.muli %and3A_112, %mul3A_129 : vector<16xi32>
                %mul3A_131 = arith.constant 16 : i32
                %mul3A_132 = arith.muli %scan3A_74, %mul3A_131 : i32
                %add3A_133 = vector.broadcast %mul3A_132 : i32 to vector<16xi32>
                %add3A_134 = arith.addi %add3A_133, %iota3A : vector<16xi32>
                %add3A_135 = arith.constant 0 : i32
                %add3A_136 = vector.broadcast %add3A_135 : i32 to vector<16xi32>
                %add3A_137 = arith.addi %add3A_136, %add3A_134 : vector<16xi32>
                %gather3A_138 = tpu.vector_load_idx %arg17[%add3A_137] masked %and3A_113 : memref<24576xf32, #tpu.memory_space<vmem>>[vector<16xi32>], vector<16xf32>, vector<16xi1>
                %add3A_139 = arith.constant 0 : i32
                %add3A_140 = vector.broadcast %add3A_139 : i32 to vector<16xi32>
                %add3A_141 = arith.addi %mul3A_130, %add3A_140 : vector<16xi32>
                tpu.vector_store_idx %arg13[%add3A_141], %gather3A_138 masked %and3A_113 : memref<24576xf32, #tpu.memory_space<vmem>>[vector<16xi32>], vector<16xf32>, vector<16xi1>
                %add3A_142 = arith.constant 1024 : i32
                %add3A_143 = vector.broadcast %add3A_142 : i32 to vector<16xi32>
                %add3A_144 = arith.addi %add3A_143, %add3A_134 : vector<16xi32>
                %gather3A_145 = tpu.vector_load_idx %arg17[%add3A_144] masked %and3A_113 : memref<24576xf32, #tpu.memory_space<vmem>>[vector<16xi32>], vector<16xf32>, vector<16xi1>
                %add3A_146 = arith.constant 1 : i32
                %add3A_147 = vector.broadcast %add3A_146 : i32 to vector<16xi32>
                %add3A_148 = arith.addi %mul3A_130, %add3A_147 : vector<16xi32>
                tpu.vector_store_idx %arg13[%add3A_148], %gather3A_145 masked %and3A_113 : memref<24576xf32, #tpu.memory_space<vmem>>[vector<16xi32>], vector<16xf32>, vector<16xi1>
                %add3A_149 = arith.constant 2048 : i32
                %add3A_150 = vector.broadcast %add3A_149 : i32 to vector<16xi32>
                %add3A_151 = arith.addi %add3A_150, %add3A_134 : vector<16xi32>
                %gather3A_152 = tpu.vector_load_idx %arg17[%add3A_151] masked %and3A_113 : memref<24576xf32, #tpu.memory_space<vmem>>[vector<16xi32>], vector<16xf32>, vector<16xi1>
                %add3A_153 = arith.constant 2 : i32
                %add3A_154 = vector.broadcast %add3A_153 : i32 to vector<16xi32>
                %add3A_155 = arith.addi %mul3A_130, %add3A_154 : vector<16xi32>
                tpu.vector_store_idx %arg13[%add3A_155], %gather3A_152 masked %and3A_113 : memref<24576xf32, #tpu.memory_space<vmem>>[vector<16xi32>], vector<16xf32>, vector<16xi1>
              } else {
              }
            } else {
            }
          }
          %scan3A_73 = arith.constant 64 : i32
        } else {
        }
      }
      %scan3A_58 = arith.constant 8 : i32
    }
    %scan3A_39 = arith.constant 32 : i32
    %mul3A_40 = arith.constant 3 : i32
    %mul3A_41 = arith.muli %mul3A_2, %mul3A_40 : i32
    "tpu.region"() ({
      %run_scoped3A = tpu.sem_alloc : memref<!tpu.dma_semaphore, #tpu.memory_space<semaphore_mem>>
      %dma_start3A = tpu.memref_slice %arg11[%mul3A_41] : memref<786432xf32, #tpu.memory_space<hbm>> -> memref<24576xf32, #tpu.memory_space<hbm>>
      %dma_start3A_42 = tpu.memref_slice %arg11[%mul3A_41] : memref<786432xf32, #tpu.memory_space<hbm>> -> memref<24576xf32, #tpu.memory_space<hbm>>
      tpu.enqueue_dma source(%arg13 : memref<24576xf32, #tpu.memory_space<vmem>>) target(%dma_start3A_42 : memref<24576xf32, #tpu.memory_space<hbm>>) target_semaphore(%run_scoped3A : memref<!tpu.dma_semaphore, #tpu.memory_space<semaphore_mem>>)
      %dma_wait3A = tpu.memref_slice %arg11[%mul3A_41] : memref<786432xf32, #tpu.memory_space<hbm>> -> memref<24576xf32, #tpu.memory_space<hbm>>
      %dma_wait3A_43 = tpu.memref_slice %arg11[%mul3A_41] : memref<786432xf32, #tpu.memory_space<hbm>> -> memref<24576xf32, #tpu.memory_space<hbm>>
      tpu.wait_dma2 semaphore(%run_scoped3A : memref<!tpu.dma_semaphore, #tpu.memory_space<semaphore_mem>>) src(%arg13 : memref<24576xf32, #tpu.memory_space<vmem>>) dst(%dma_wait3A_43 : memref<24576xf32, #tpu.memory_space<hbm>>)
      tpu.yield
    }) : () -> ()
    return
  }
}

</mosaic_0001>

<sc_bundles>
// kernel: kernel.4.cloned.1.call-start
scs
__scs_entry_jumppad:
0x0: {  	(pc) =	sbr.rel $0x88, $3  }
0x1: {  	(tag) =	ssettag $0x0;
	lr =	simm.s32 $0x1  }
0x2: {  	[smem:$0x3F9E] =	sst lr;
	_ =	strace $0xD0000000  }
0x3: {  	_ = 	snop  }
0x4: {  	_ = 	snop  }
0x5: {  	_ = 	snop  }
0x6: {  	_ = 	snop  }
0x7: {  	_ = 	snop  }
__scs_overlays_trampoline_lowered:
0x8: {  	[smem:$0x3FAD] =	sst s0  }
0x9: {  	[smem:$0x3FAE] =	sst s1  }
0xa: {  	[smem:$0x3FAF] =	sst s2  }
0xb: {  	[smem:$0x3FB0] =	sst s3  }
0xc: {  	[smem:$0x3FB1] =	sst s4  }
0xd: {  	[smem:$0x3FB2] =	sst s5  }
0xe: {  	[smem:$0x3FB3] =	sst s6  }
0xf: {  	[smem:$0x3FB4] =	sst s7  }
0x10: {  	[smem:$0x3FB5] =	sst s8  }
0x11: {  	[smem:$0x3FB6] =	sst s9;
	s0 =	simm.s32 @!p0 $0x0  }
0x12: {  	s1 =	sld [smem:$0x3F9C];
	s0 =	simm.s32 @p0 $0x1  }
0x13: {  	[smem:$0x3FB7] =	sst s0;
	s0 =	simm.s32 @!p1 $0x0  }
0x14: {  	s2 =	sld [smem:$0x3F9B];
	s0 =	simm.s32 @p1 $0x1  }
0x15: {  	[smem:$0x3FB8] =	sst s0;
	s0 =	simm.s32 @!p2 $0x0  }
0x16: {  	s3 =	sld [smem:$0x3FDB];
	s0 =	simm.s32 @p2 $0x1  }
0x17: {  	s4 =	simm.s32 $0x1BF5;
	[smem:$0x3FBA] =	sst s0  }
0x18: {  	s0 =	sld [smem:$0x3F9D];
	_ =	swait.ge [sflag:s4], $0x0  }
0x19: {  	s7 =	sld [smem:$0x3F9E]  }
0x1a: {  	s8 =	sadd.s32 $0xFFFFE003, lr  }
0x1b: {  	s9 =	sadd.s32 $0xFFFFFEF7, lr;
	s5 =	simm.s32 $0xFFFFFFFF;
	p2 =	slt.u32 s8, $0xFFFFF086  }
0x1c: {  	p1 =	slt.u32 s9, $0xF7A;
	s5 =	simm.s32 @!p2 $0x0  }
0x1d: {  	s5 =	simm.s32 @p1 $0x1;
	p0 =	seq.s32 s7, s2  }
0x1e: {  	s7 =	smul.u32 @!p0 $0xF7A, s2;
	p2 =	seq.s32 @!p0 s5, $0x0  }
0x1f: {  	s9 =	smul.u32 $0xF7A, s1;
	s8 =	simm.s32 @!p0 $0x1BF5;
	p2 =	por !p2, p0  }
0x20: {  	[sflag:s8] =	ssyncset.s32 @!p0 $0xFFFFF086;
	s6 =	sadd.s32 @!p0 s3, s7;
	s7 =	simm.s32 @!p0 $0x108  }
0x21: {  	s3 =	sadd.s32 s3, s9;
	s6 =	sadd.s32 @!p0 $0x88, s6;
	s7 =	simm.s32 @p2 $0x1082  }
0x22: {  	[simem:s7], [sflag:s8] =	dma.local @!p0 [hbm:s6], $0xF7A  }
0x23: {  	s9 =	sor.u32 $0xD0000000, s2;
	s6 =	simm.s32 $0x108;
	_ =	swait.ge @!p0 [sflag:s8], $0x0  }
0x24: {  	s3 =	sadd.s32 $0x88, s3;
	s6 =	simm.s32 @!p1 $0x1082;
	[sflag:s4] =	ssyncset.s32 $0xFFFFF086  }
0x25: {  	[simem:s6], [sflag:s4] =	dma.local [hbm:s3], $0xF7A  }
0x26: {  	[smem:$0x3F9E] =	sst s1;
	(tag) =	ssettag s2;
	_ =	strace s9  }
0x27: {  	s1 =	sld [smem:$0x3FAE]  }
0x28: {  	s2 =	sld [smem:$0x3FAF]  }
0x29: {  	s4 =	sld [smem:$0x3FB1]  }
0x2a: {  	p0 =	seq.s32 s5, $0x0;
	s5 =	sld [smem:$0x3FB2]  }
0x2b: {  	s6 =	sld [smem:$0x3FB3]  }
0x2c: {  	s7 =	sld [smem:$0x3FB4]  }
0x2d: {  	s3 =	simm.s32 $0x108;
	s8 =	sld [smem:$0x3FB5]  }
0x2e: {  	s3 =	simm.s32 @!p0 $0x1082;
	s9 =	sld [smem:$0x3FB6]  }
0x2f: {  	lr =	sadd.s32 s0, s3;
	s0 =	sld [smem:$0x3FAD]  }
0x30: {  	s3 =	sld [smem:$0x3FB0]  }
0x31: {  	[smem:$0x3FB9] =	sst s10  }
0x32: {  	s10 =	sld [smem:$0x3FB7];
	_ =	sdelay $0x3  }
0x33: {  	p0 =	seq.s32 s10, $0x1;
	s10 =	sld [smem:$0x3FB9];
	_ =	sdelay $0x3  }
0x34: {  	[smem:$0x3FB9] =	sst s10  }
0x35: {  	s10 =	sld [smem:$0x3FB8];
	_ =	sdelay $0x3  }
0x36: {  	p1 =	seq.s32 s10, $0x1;
	s10 =	sld [smem:$0x3FB9];
	_ =	sdelay $0x3  }
0x37: {  	[smem:$0x3FB9] =	sst s10  }
0x38: {  	s10 =	sld [smem:$0x3FBA]  }
0x39: {  	_ = 	snop;
	(pc) =	sbr.ind lr, $3  }
0x3a: {  	_ = 	snop  }
0x3b: {  	_ = 	snop  }
0x3c: {  	p2 =	seq.s32 s10, $0x1;
	s10 =	sld [smem:$0x3FB9]  }
0x3d: {  	_ =	shalt  }
0x3e: {  	_ =	shalt  }
0x3f: {  	_ =	shalt  }
0x40: {  	_ =	shalt  }
0x41: {  	_ =	shalt  }
0x42: {  	_ =	shalt  }
0x43: {  	_ =	shalt  }
0x44: {  	_ =	shalt  }
0x45: {  	_ =	shalt  }
0x46: {  	_ =	shalt  }
0x47: {  	_ =	shalt  }
0x48: {  	_ =	shalt  }
0x49: {  	_ =	shalt  }
0x4a: {  	_ =	shalt  }
0x4b: {  	_ =	shalt  }
0x4c: {  	_ =	shalt  }
0x4d: {  	_ =	shalt  }
0x4e: {  	_ =	shalt  }
0x4f: {  	_ =	shalt  }
0x50: {  	_ =	shalt  }
0x51: {  	_ =	shalt  }
0x52: {  	_ =	shalt  }
0x53: {  	_ =	shalt  }
0x54: {  	_ =	shalt  }
0x55: {  	_ =	shalt  }
0x56: {  	_ =	shalt  }
0x57: {  	_ =	shalt  }
0x58: {  	_ =	shalt  }
0x59: {  	_ =	shalt  }
0x5a: {  	_ =	shalt  }
0x5b: {  	_ =	shalt  }
0x5c: {  	_ =	shalt  }
0x5d: {  	_ =	shalt  }
0x5e: {  	_ =	shalt  }
0x5f: {  	_ =	shalt  }
0x60: {  	_ =	shalt  }
0x61: {  	_ =	shalt  }
0x62: {  	_ =	shalt  }
0x63: {  	_ =	shalt  }
0x64: {  	_ =	shalt  }
0x65: {  	_ =	shalt  }
0x66: {  	_ =	shalt  }
0x67: {  	_ =	shalt  }
0x68: {  	_ =	shalt  }
0x69: {  	_ =	shalt  }
0x6a: {  	_ =	shalt  }
0x6b: {  	_ =	shalt  }
0x6c: {  	_ =	shalt  }
0x6d: {  	_ =	shalt  }
0x6e: {  	_ =	shalt  }
0x6f: {  	_ =	shalt  }
0x70: {  	_ =	shalt  }
0x71: {  	_ =	shalt  }
0x72: {  	_ =	shalt  }
0x73: {  	_ =	shalt  }
0x74: {  	_ =	shalt  }
0x75: {  	_ =	shalt  }
0x76: {  	_ =	shalt  }
0x77: {  	_ =	shalt  }
0x78: {  	_ =	shalt  }
0x79: {  	_ =	shalt  }
0x7a: {  	_ =	shalt  }
0x7b: {  	_ =	shalt  }
0x7c: {  	_ =	shalt  }
0x7d: {  	_ =	shalt  }
0x7e: {  	_ =	shalt  }
0x7f: {  	_ =	shalt  }
0x80: {  	_ =	shalt  }
0x81: {  	_ =	shalt  }
0x82: {  	_ =	shalt  }
0x83: {  	_ =	shalt  }
0x84: {  	_ =	shalt  }
0x85: {  	_ =	shalt  }
0x86: {  	_ =	shalt  }
0x87: {  	_ =	shalt  }
.Lfunc_end0:
.L_simem_size_0:
called_computation_lowered:
.L_overlay_start_0:
0x88: {  	s2 =	sld [smem:$0x3FD9]  }
0x89: {  	s3 =	sld [smem:$0x3FFE];
	_ =	sdelay $0x1  }
0x8a: {  	s1 =	srdreg.scid  }
0x8b: {  	s0 =	sand.u32 $0x1, s1  }
0x8c: {  	s17 =	sshll.u32 s0, $0xA;
	s2 =	sadd.s32 s3, s2  }
0x8d: {  	s2 =	sadd.s32 s2, s17  }
0x8e: {  	[smem:$0x3FC5] =	sst s2  }
0x8f: {  	_ = 	snop  }
0x90: {  	s2 =	sld [smem:$0x3FD0];
	(tm) =	ssettm $0x1  }
0x91: {  	s18 =	sld [smem:$0x3FFB];
	_ =	sdelay $0x3  }
0x92: {  	_ =	strace s18  }
0x93: {  	s3 =	sld [smem:$0x3FFC];
	_ =	sdelay $0x3  }
0x94: {  	_ =	strace s3  }
0x95: {  	s3 =	sld [smem:$0x3FFD];
	_ =	sdelay $0x3  }
0x96: {  	_ =	strace s3  }
0x97: {  	_ =	strace $0x8FFFFFFF  }
0x98: {  	s19 =	sld [smem:$0x3FDB];
	_ =	sdelay $0x1  }
0x99: {  	s4 =	simm.s32 $_scs_section_size  }
0x9a: {  	s5 =	simm.s32 $_size__tile_overlayer_lowered;
	s6 =	simm.s32 $_tile_overlayer_lowered  }
0x9b: {  	s22 =	simm.s32 $0x1BFF;
	s21 =	sshll.u32 s6, $0x1;
	s3 =	sadd.s32 s4, s19  }
0x9c: {  	s7 =	simm.s32 $0x0;
	s20 =	sshll.u32 s5, $0x1;
	s5 =	sadd.s32 s21, s3  }
0x9d: {  	[timem:s7], [sflag:s22] =	dma.local [hbm:s5], s20  }
0x9e: {  	_ =	swait.ge [sflag:s22], s20  }
0x9f: {  	s4 =	ssub.s32 $0x0, s20;
	[sflag:s22] =	ssyncset.done $0x0  }
0xa0: {  	[sflag:s22] =	ssyncadd.s32 s4;
	_ =	sdelay $0x1  }
0xa1: {  	s23 =	simm.s32 $0x1B8B  }
0xa2: {  	_ =	swait.ge [sflag:s23], $0x1  }
0xa3: {  	[sflag:s23] =	ssyncset.done $0x0  }
0xa4: {  	s25 =	simm.s32 $0x1B8E;
	s24 =	sld [smem:$0x3FFE];
	[sflag:s23] =	ssyncadd.s32 $0xFFFFFFFF  }
0xa5: {  	s26 =	simm.s32 $execute0_lowered;
	[smem:$0x3FD2] =	sst s25  }
0xa6: {  	s5 =	sshll.u32 s26, $0x1;
	_ =	strace $0x80000046;
	[dreg:$0x1] =	wrdreg $0xFFFFFFFF  }
0xa7: {  	s28 =	simm.s32 $_size_execute0_lowered;
	s3 =	sadd.s32 s3, s5;
	[dreg:$0x0] =	wrdreg $0x0  }
0xa8: {  	s5 =	sshll.u32 s28, $0x1;
	[dreg:$0x2] =	wrdreg s3  }
0xa9: {  	[dreg:$0x3] =	wrdreg s5  }
0xaa: {  	[dreg:$0x4] =	wrdreg $0xC0  }
0xab: {  	_ =	task [dreg:s7], $0x5FFFF  }
0xac: {  	[dreg:$0x1] =	wrdreg $0xFFFFFFFF  }
0xad: {  	[dreg:$0x0] =	wrdreg $0x60  }
0xae: {  	[dreg:$0x2] =	wrdreg s24  }
0xaf: {  	[dreg:$0x3] =	wrdreg s2  }
0xb0: {  	[dreg:$0x4] =	wrdreg $0x9  }
0xb1: {  	_ =	task.clear_ibuf [dreg:s7], $0x5FFFF;
	_ =	strace $0x90000046  }
0xb2: {  	s29 =	simm.s32 $0x9;
	_ =	strace $0x80000048  }
0xb3: {  	_ =	swait.ge [sflag:s29], $0x1  }
0xb4: {  	[sflag:s29] =	ssyncadd.s32 $0xFFFFFFFF  }
0xb5: {  	_ =	strace $0x90000048  }
0xb6: {  	_ =	sfence  }
0xb7: {  	s30 =	sld [smem:$0x0];
	_ =	sdelay $0x2  }
0xb8: {  	s31 =	sshll.u32 s1, $0xD;
	s1 =	sshrl.u32 s1, $0x2  }
0xb9: {  	s3 =	sand.u32 $0x4000, s31;
	s1 =	sadd.s32 s1, s30  }
0xba: {  	s0 =	sor.u32 s3, s0;
	s1 =	sshll.u32 s1, $0x11  }
0xbb: {  	s0 =	sor.u32 s1, s0  }
0xbc: {  	s0 =	sadd.s32 $0x8F2B, s0  }
0xbd: {  	[sflag:s0] =	ssyncadd.remote.s32 $0x1  }
0xbe: {  	_ =	sfence.sel $0xFFFF  }
0xbf: {  	[dreg:$0x0] =	wrdreg $0xFFFFFFFF;
	(pc) =	sbr.abs _section_cstart, $3  }
0xc0: {  	[dreg:$0x1] =	wrdreg $0xFFFFFFFF  }
0xc1: {  	_ =	task.clear_ibuf [dreg:s7], $0x2FFFF;
	_ =	strace $0x9FFFFFFF  }
0xc2: {  	(tm) =	ssettm $0x7FFFFFFF  }
0xc3: {  	_ =	shalt  }
tec
execute0_lowered:
.L_overlay_start_1:
0x0: {  	(tag) =	ssettag $0x1  }
0x1: {  	s4 =	rddreg [dreg:$0x0];
	s1 =	srdreg.scid  }
0x2: {  	s0 =	stileid.u32;
	s6 =	rddreg [dreg:$0x1];
	s2 =	simm.s32 $0x0  }
0x3: {  	s18 =	simm.s32 $0xC000;
	s19 =	simm.s32 $0xE000;
	s20 =	simm.s32 $0x0  }
0x4: {  	s5 =	sand.u32 $0x1, s1;
	s3 =	sshll.u32 s0, $0x1;
	[smem:$0x7FF] =	sst s2  }
0x5: {  	s29 =	sshll.u32 s0, $0xE;
	s15 =	sor.u32 s5, s3;
	_ =	strace $0x80000047  }
0x6: {  	s9 =	sshll.u32 s5, $0xD;
	s5 =	ssub.s32 $0x2, s5;
	s3 =	sshll.u32 s15, $0xB  }
0x7: {  	s28 =	sshll.u32 s15, $0xA;
	s10 =	sshll.u32 s15, $0x1;
	s11 =	sshrl.u32 s5, $0x1  }
0x8: {  	s12 =	smul.u32 $0xC00, s15;
	s17 =	sadd.s32 $0x1, s15;
	s7 =	sadd.s32 s3, s4  }
0x9: {  	s8 =	sadd.s32 s28, s4;
	s3 =	sor.u32 s9, s29;
	s10 =	sadd.s32 s10, s4  }
0xa: {  	s11 =	ssub.s32 s5, s11;
	s9 =	sshrl.u32 s3, $0x3;
	s30 =	sadd.s32 $0x401000, s7  }
0xb: {  	s31 =	sadd.s32 $0x1000, s8;
	s6 =	sadd.s32 s6, s12;
	s7 =	sadd.s32 $0x9000, s8  }
0xc: {  	v0 =	vlaneseq.u32;
	s8 =	sadd.s32 $0x11000, s8;
	s16 =	sadd.s32 s9, s4;
	[dreg:$0x3] =	wrdreg s30  }
0xd: {  	v1 =	vmul.u32 $0x2, v0;
	[dreg:$0x4] =	wrdreg s31;
	s9 =	sadd.s32 $0x19000, s10;
	s10 =	smax.u32 s11, $0x1  }
0xe: {  	v5 =	vimm.s32 $0x0;
	v6 =	vimm.f32 $0.0e+00;
	s11 =	sadd.s32 $0x39200, s16;
	s12 =	sadd.s32 $0x31200, s16;
	s13 =	sadd.s32 $0x29200, s16  }
0xf: {  	v2 =	vmov s15;
	v4 =	vor.u32 $0x1, v1;
	v3 =	vmov s17;
	s14 =	sadd.s32 $0x21200, s16;
	s15 =	sadd.s32 $0x19200, s16;
	s16 =	simm.s32 $0x1  }
.LBB2_1:
0x10: {  	s0 =	rddreg [dreg:$0x3]  }
0x11: {  	[tilespmem:s2], [sflag:$0x1] =	stream.linear.gather [hbm4b:s0+s2], $0x4000, $0x38;
	[tilespmem:$0x1A000] =	vst v63  }
0x12: {  	_ =	swait.ge [sflag:s16], $0x4000  }
0x13: {  	[sflag:s16] =	ssyncset.done $0x0  }
0x14: {  	s21 =	simm.s32 $0x4000;
	s26 =	rddreg [dreg:$0x4];
	[sflag:s16] =	ssyncadd.s32 $0xFFFFC000  }
0x15: {  	[tilespmem:s21], [sflag:$0x1] =	stream.linear.gather [hbm4b:s26+s2], $0x2000, $0x38;
	[tilespmem:$0x1A000] =	vst v63  }
0x16: {  	_ =	swait.ge [sflag:s16], $0x2000  }
0x17: {  	[sflag:s16] =	ssyncset.done $0x0  }
0x18: {  	v7 =	vor.u32 s2, v4;
	s29 =	simm.s32 $0x6000;
	[sflag:s16] =	ssyncadd.s32 $0xFFFFE000  }
0x19: {  	v8 =	vor.u32 s2, v1;
	[tilespmem:s29], [sflag:$0x1] =	stream.linear.gather [hbm4b:s6+s2], $0x6000, $0x38;
	[tilespmem:$0x1A000] =	vst v63  }
0x1a: {  	_ =	swait.ge [sflag:s16], $0x6000  }
0x1b: {  	[sflag:s16] =	ssyncset.done $0x0  }
0x1c: {  	[sflag:s16] =	ssyncadd.s32 $0xFFFFA000  }
0x1d: {  	s22 =	sadd.s32 $0x0, s3;
	v7 =	vld.idx.msk [tilespmem:v7+s2+$0x0], $0xffff  }
0x1e: {  	v9 =	vmov s22;
	v8 =	vld.idx.msk [tilespmem:v8+s2+$0x0], $0xffff  }
0x1f: {  	v10 =	vor.u32 s22, v0;
	v9 =	vshrl.u32 v9, $0x9  }
0x20: {  	v10 =	vand.u32 $0x1FF, v10;
	v9 =	vcvt.s32.f32 v9  }
0x21: {  	v10 =	vcvt.s32.f32 v10  }
0x22: {  	v7 =	vadd.f32 v9, v7  }
0x23: {  	v8 =	vadd.f32 v10, v8  }
0x24: {  	v7 =	vadd.f32 $5.000000000e-01, v7  }
0x25: {  	v8 =	vadd.f32 $5.000000000e-01, v8  }
0x26: {  	v7 =	vmax.f32 v7, $-1.000000000e+06  }
0x27: {  	v8 =	vmax.f32 v8, $-1.000000000e+06;
	v7 =	vmin.f32 v7, $1.000000000e+06  }
0x28: {  	v8 =	vmin.f32 v8, $1.000000000e+06;
	v9 =	vtrunc.f32 v7  }
0x29: {  	v10 =	vtrunc.f32 v8;
	v11 =	vcvt.f32.s32 v9  }
0x2a: {  	vm0 =	vlt.f32 v7, v9;
	v9 =	vcvt.f32.s32 v10;
	vm1 =	vlt.f32 v8, v10  }
0x2b: {  	v10 =	vsel vm0, $0xFFFFFFFF, v5;
	v12 =	vsel vm1, $0xFFFFFFFF, v5  }
0x2c: {  	v10 =	vadd.s32 v11, v10;
	v9 =	vadd.s32 v9, v12  }
0x2d: {  	v11 =	vcvt.s32.f32 v10;
	v63 =	vand.u32 $0x1, v10;
	v13 =	vcvt.s32.f32 v9  }
0x2e: {  	v14 =	vand.u32 $0x1, v9;
	vm0 =	veq.s32 v63, $0x1  }
0x2f: {  	vm3 =	veq.s32 v14, $0x1;
	vm1 =	veq.f32 v7, v11;
	vm2 =	veq.f32 v8, v13  }
0x30: {  	vm0 =	vmand vm1, vm0;
	vm1 =	vmand vm2, vm3  }
0x31: {  	v7 =	vsel vm0, $0xFFFFFFFF, v5;
	v8 =	vsel vm1, $0xFFFFFFFF, v5  }
0x32: {  	v7 =	vadd.s32 v7, v10;
	v8 =	vadd.s32 v8, v9  }
0x33: {  	v9 =	vor.u32 v8, v7;
	v7 =	vshll.u32 v7, $0x9  }
0x34: {  	vm1 =	vlt.u32 v9, $0x200;
	v7 =	vadd.s32 v8, v7  }
0x35: {  	v8 =	vnsel vm1, $0x40000, v7  }
0x36: {  	v7 =	vshrl.u32 v8, $0xD  }
0x37: {  	v9 =	vadd.s32 $0x1, v7  }
0x38: {  	vm2 =	vgt.u32 v7, v3;
	vm0 =	vlt.u32 v9, v2  }
0x39: {  	vm0 =	vmor vm2, vm0  }
0x3a: {  	vm0 =	vmand vm1, vm0  }
0x3b: {  	v7 =	vsel vm0, $0x3F800000, v6  }
0x3c: {  	(xrf0) =	vmax.scan.msk.f32 $0xffff, v7;
	_ =	sdelay $0x5  }
0x3d: {  	v7, _, _ =	vpop (xrf0)  }
0x3e: {  	(v2sf) =	vpush v7, $0xF;
	_ =	sdelay $0xd  }
0x3f: {  	v7 =	vsel vm0, $0x1, v5  }
0x40: {  	(xrf0) =	vadd.scan.msk.s32 $0xffff, v7;
	s31 =	spop (v2sf)  }
0x41: {  	p1 =	sgt.f32 s31, $0.0e+00;
	_ =	sdelay $0x1  }
0x42: {  	v7 =	vmov @p1 s2  }
0x43: {  	v9 =	vmov @p1 s2;
	v7 =	vadd.s32 @p1 $0xFFFFFFFF, v7  }
0x44: {  	v10 =	vld [tilespmem:s21+$0x0];
	v9 =	vmul.u32 @p1 $0x3, v9;
	v7 =	vbroadcast @p1 v7, $0x0  }
0x45: {  	v12, _, _ =	vpop (xrf0);
	v11 =	vlaneseq.u32 @p1  }
0x46: {  	v11 =	vmul.u32 @p1 $0x3, v11;
	v9 =	vbroadcast @p1 v9, $0x0;
	v7 =	vadd.s32 @p1 v12, v7;
	_ =	sdelay $0x1  }
0x47: {  	v13 =	vadd.s32 @p1 v11, v9  }
0x48: {  	[tilespmem:s18+$0x0] =	vst v8;
	v10 =	vnsel vm1, $0x7149F2CA, v10  }
0x49: {  	[tilespmem:s19+$0x0] =	vst v10;
	s22 =	simm.s32 @p1 $0x10000  }
0x4a: {  	s23 =	simm.s32 @p1 $0x12000;
	[tilespmem:v7+s22+$0x0] =	vst.idx.msk @p1 vm0, v8  }
0x4b: {  	(v2sf) =	vpush v12, $0xF;
	[tilespmem:v7+s23+$0x0] =	vst.idx.msk @p1 vm0, v10;
	s23 =	simm.s32 @p1 $0x6000  }
0x4c: {  	v8 =	vadd.s32 @p1 $0x1, v11;
	v10 =	vld.idx.msk @p1 [tilespmem:v13+s23+$0x0], vm0  }
0x4d: {  	v8 =	vadd.s32 @p1 v8, v9;
	_ =	sdelay $0x2  }
0x4e: {  	s22 =	simm.s32 @p1 $0x14000  }
0x4f: {  	[tilespmem:v7+s22+$0x0] =	vst.idx.msk @p1 vm0, v10  }
0x50: {  	v10 =	vadd.s32 @p1 $0x2, v11;
	v8 =	vld.idx.msk @p1 [tilespmem:v8+s23+$0x0], vm0  }
0x51: {  	v9 =	vadd.s32 @p1 v10, v9;
	_ =	sdelay $0x2  }
0x52: {  	s22 =	simm.s32 @p1 $0x16000  }
0x53: {  	[tilespmem:v7+s22+$0x0] =	vst.idx.msk @p1 vm0, v8  }
0x54: {  	s28 =	simm.s32 $0x20;
	v10 =	vld.idx.msk @p1 [tilespmem:v9+s23+$0x0], vm0  }
0x55: {  	s25 =	simm.s32 $0x10;
	v9 =	vor.u32 s28, v4  }
0x56: {  	s26 =	simm.s32 $0x20;
	s30 =	simm.s32 @p1 $0x18000;
	s24 =	spop (v2sf);
	v8 =	vor.u32 s28, v1  }
0x57: {  	s22 =	sadd.s32 $0x0, s24;
	s24 =	simm.s32 $0xC000;
	s23 =	simm.s32 $0xE010  }
.LBB2_2:
0x58: {  	s21 =	sadd.s32 $0x10, s21  }
0x59: {  	[tilespmem:v7+s30+$0x0] =	vst.idx.msk @p1 vm0, v10;
	s24 =	sadd.s32 $0x10, s24;
	s29 =	smov.u32 s26;
	s26 =	sadd.s32 $0x10, s26  }
0x5a: {  	p0 =	sne.s32 s26, $0x2000;
	v7 =	vld.idx.msk [tilespmem:v9+s2+$0x0], $0xffff  }
0x5b: {  	s30 =	sadd.s32 s25, s3;
	v8 =	vld.idx.msk [tilespmem:v8+s2+$0x0], $0xffff  }
0x5c: {  	v9 =	vmov s30;
	v10 =	vor.u32 s30, v0  }
0x5d: {  	v9 =	vshrl.u32 v9, $0x9;
	v10 =	vand.u32 $0x1FF, v10  }
0x5e: {  	v9 =	vcvt.s32.f32 v9  }
0x5f: {  	v10 =	vcvt.s32.f32 v10  }
0x60: {  	v7 =	vadd.f32 v9, v7  }
0x61: {  	v8 =	vadd.f32 v10, v8  }
0x62: {  	v7 =	vadd.f32 $5.000000000e-01, v7  }
0x63: {  	v8 =	vadd.f32 $5.000000000e-01, v8  }
0x64: {  	v7 =	vmax.f32 v7, $-1.000000000e+06  }
0x65: {  	v8 =	vmax.f32 v8, $-1.000000000e+06;
	v7 =	vmin.f32 v7, $1.000000000e+06  }
0x66: {  	v8 =	vmin.f32 v8, $1.000000000e+06;
	v9 =	vtrunc.f32 v7  }
0x67: {  	v10 =	vtrunc.f32 v8;
	v11 =	vcvt.f32.s32 v9;
	vm0 =	vlt.f32 v7, v9  }
0x68: {  	v9 =	vcvt.f32.s32 v10;
	vm1 =	vlt.f32 v8, v10;
	v10 =	vsel vm0, $0xFFFFFFFF, v5  }
0x69: {  	v12 =	vsel vm1, $0xFFFFFFFF, v5;
	v10 =	vadd.s32 v11, v10  }
0x6a: {  	v9 =	vadd.s32 v9, v12;
	v11 =	vcvt.s32.f32 v10;
	v12 =	vand.u32 $0x1, v10  }
0x6b: {  	v13 =	vcvt.s32.f32 v9;
	v14 =	vand.u32 $0x1, v9;
	vm0 =	veq.s32 v12, $0x1  }
0x6c: {  	vm1 =	veq.f32 v7, v11  }
0x6d: {  	vm3 =	veq.s32 v14, $0x1;
	vm2 =	veq.f32 v8, v13;
	vm0 =	vmand vm1, vm0  }
0x6e: {  	vm1 =	vmand vm2, vm3;
	v7 =	vsel vm0, $0xFFFFFFFF, v5  }
0x6f: {  	v8 =	vsel vm1, $0xFFFFFFFF, v5;
	v7 =	vadd.s32 v7, v10  }
0x70: {  	v8 =	vadd.s32 v8, v9  }
0x71: {  	v9 =	vor.u32 v8, v7;
	v7 =	vshll.u32 v7, $0x9  }
0x72: {  	vm1 =	vlt.u32 v9, $0x200;
	v7 =	vadd.s32 v8, v7  }
0x73: {  	v8 =	vnsel vm1, $0x40000, v7  }
0x74: {  	v7 =	vshrl.u32 v8, $0xD  }
0x75: {  	v9 =	vadd.s32 $0x1, v7  }
0x76: {  	vm2 =	vgt.u32 v7, v3;
	vm0 =	vlt.u32 v9, v2  }
0x77: {  	vm0 =	vmor vm2, vm0  }
0x78: {  	vm0 =	vmand vm1, vm0  }
0x79: {  	v7 =	vsel vm0, $0x1, v5;
	v9 =	vsel vm0, $0x3F800000, v6  }
0x7a: {  	(xrf0) =	vmax.scan.msk.f32 $0xffff, v9;
	_ =	sdelay $0x5  }
0x7b: {  	v9, _, _ =	vpop (xrf0)  }
0x7c: {  	(v2sf) =	vpush v9, $0xF;
	_ =	sdelay $0xe  }
0x7d: {  	(xrf0) =	vadd.scan.msk.s32 $0xffff, v7;
	s30 =	spop (v2sf)  }
0x7e: {  	p1 =	sgt.f32 s30, $0.0e+00;
	_ =	sdelay $0x1  }
0x7f: {  	v7 =	vmov @p1 s22;
	s31 =	simm.s32 @p1 $0x12000;
	v9 =	vmov @p1 s25;
	v10 =	vlaneseq.u32 @p1;
	s1 =	simm.s32 @p1 $0x14000;
	s0 =	simm.s32 @p1 $0x16000  }
0x80: {  	s30 =	simm.s32 @p1 $0x18000;
	s25 =	smov.u32 s29;
	v7 =	vadd.s32 @p1 $0xFFFFFFFF, v7;
	v9 =	vmul.u32 @p1 $0x3, v9;
	v10 =	vmul.u32 @p1 $0x3, v10  }
0x81: {  	v11 =	vld [tilespmem:s21+$0x0];
	v7 =	vbroadcast @p1 v7, $0x0  }
0x82: {  	v9 =	vbroadcast @p1 v9, $0x0;
	v12 =	vadd.s32 @p1 $0x1, v10;
	v13 =	vadd.s32 @p1 $0x2, v10;
	v14, _, _ =	vpop (xrf0)  }
0x83: {  	v7 =	vadd.s32 @p1 v14, v7;
	(v2sf) =	vpush v14, $0xF  }
0x84: {  	v10 =	vadd.s32 @p1 v10, v9;
	v12 =	vadd.s32 @p1 v12, v9;
	v9 =	vadd.s32 @p1 v13, v9;
	_ =	sdelay $0x1  }
0x85: {  	v11 =	vnsel vm1, $0x7149F2CA, v11;
	[tilespmem:s24+$0x0] =	vst v8  }
0x86: {  	s29 =	simm.s32 @p1 $0x10000;
	[tilespmem:s23+$0x0] =	vst v11  }
0x87: {  	[tilespmem:v7+s29+$0x0] =	vst.idx.msk @p1 vm0, v8  }
0x88: {  	s29 =	simm.s32 @p1 $0x6000;
	[tilespmem:v7+s31+$0x0] =	vst.idx.msk @p1 vm0, v11  }
0x89: {  	v8 =	vld.idx.msk @p1 [tilespmem:v10+s29+$0x0], vm0;
	_ =	sdelay $0x5  }
0x8a: {  	[tilespmem:v7+s1+$0x0] =	vst.idx.msk @p1 vm0, v8  }
0x8b: {  	v8 =	vld.idx.msk @p1 [tilespmem:v12+s29+$0x0], vm0  }
0x8c: {  	s1 =	spop (v2sf)  }
0x8d: {  	s22 =	sadd.s32 s22, s1;
	_ =	sdelay $0x3  }
0x8e: {  	[tilespmem:v7+s0+$0x0] =	vst.idx.msk @p1 vm0, v8  }
0x8f: {  	v10 =	vld.idx.msk @p1 [tilespmem:v9+s29+$0x0], vm0  }
.Ltmp0:
0x90: {  	s28 =	sadd.s32 $0x20, s28;
	(pc) =	sbr.rel @p0 .LBB2_2-.Ltmp0, $3  }
0x91: {  	v9 =	vor.u32 s28, v4  }
0x92: {  	v8 =	vor.u32 s28, v1;
	_ =	sdelay $0x1  }
0x93: {  	s23 =	sadd.s32 $0x10, s23  }
0x94: {  	_ =	sdelay $0x4  }
0x95: {  	[tilespmem:v7+s30+$0x0] =	vst.idx.msk @p1 vm0, v10  }
0x96: {  	s0 =	sadd.s32 s25, s3;
	v7 =	vld.idx.msk [tilespmem:v9+s2+$0x0], $0xffff  }
0x97: {  	v8 =	vld.idx.msk [tilespmem:v8+s2+$0x0], $0xffff;
	v55 =	vmov s0  }
0x98: {  	v56 =	vor.u32 s0, v0;
	v9 =	vshrl.u32 v55, $0x9  }
0x99: {  	v10 =	vand.u32 $0x1FF, v56;
	v9 =	vcvt.s32.f32 v9  }
0x9a: {  	v10 =	vcvt.s32.f32 v10  }
0x9b: {  	v7 =	vadd.f32 v9, v7  }
0x9c: {  	v8 =	vadd.f32 v10, v8  }
0x9d: {  	v7 =	vadd.f32 $5.000000000e-01, v7  }
0x9e: {  	v8 =	vadd.f32 $5.000000000e-01, v8  }
0x9f: {  	v7 =	vmax.f32 v7, $-1.000000000e+06  }
0xa0: {  	v8 =	vmax.f32 v8, $-1.000000000e+06;
	v7 =	vmin.f32 v7, $1.000000000e+06  }
0xa1: {  	v8 =	vmin.f32 v8, $1.000000000e+06;
	v57 =	vtrunc.f32 v7  }
0xa2: {  	v58 =	vtrunc.f32 v8;
	v11 =	vcvt.f32.s32 v57  }
0xa3: {  	vm9 =	vlt.f32 v7, v57;
	v59 =	vcvt.f32.s32 v58;
	vm1 =	vlt.f32 v8, v58  }
0xa4: {  	v60 =	vsel vm9, $0xFFFFFFFF, v5;
	v12 =	vsel vm1, $0xFFFFFFFF, v5  }
0xa5: {  	v10 =	vadd.s32 v11, v60;
	v9 =	vadd.s32 v59, v12  }
0xa6: {  	v11 =	vcvt.s32.f32 v10;
	v61 =	vand.u32 $0x1, v10;
	v13 =	vcvt.s32.f32 v9  }
0xa7: {  	v14 =	vand.u32 $0x1, v9;
	vm10 =	veq.s32 v61, $0x1  }
0xa8: {  	vm3 =	veq.s32 v14, $0x1;
	vm11 =	veq.f32 v7, v11;
	vm2 =	veq.f32 v8, v13  }
0xa9: {  	vm0 =	vmand vm11, vm10;
	vm12 =	vmand vm2, vm3  }
0xaa: {  	v7 =	vsel vm0, $0xFFFFFFFF, v5;
	v8 =	vsel vm12, $0xFFFFFFFF, v5  }
0xab: {  	v7 =	vadd.s32 v7, v10;
	v8 =	vadd.s32 v8, v9  }
0xac: {  	v9 =	vor.u32 v8, v7;
	v7 =	vshll.u32 v7, $0x9  }
0xad: {  	vm13 =	vlt.u32 v9, $0x200;
	v7 =	vadd.s32 v8, v7  }
0xae: {  	v7 =	vnsel vm13, $0x40000, v7  }
0xaf: {  	v8 =	vshrl.u32 v7, $0xD  }
0xb0: {  	v62 =	vadd.s32 $0x1, v8  }
0xb1: {  	vm15 =	vgt.u32 v8, v3;
	vm14 =	vlt.u32 v62, v2  }
0xb2: {  	vm0 =	vmor vm15, vm14  }
0xb3: {  	vm0 =	vmand vm13, vm0  }
0xb4: {  	v8 =	vsel vm0, $0x3F800000, v6  }
0xb5: {  	(xrf0) =	vmax.scan.msk.f32 $0xffff, v8;
	_ =	sdelay $0x5  }
0xb6: {  	v8, _, _ =	vpop (xrf0)  }
0xb7: {  	(v2sf) =	vpush v8, $0xF;
	_ =	sdelay $0xd  }
0xb8: {  	v8 =	vsel vm0, $0x1, v5  }
0xb9: {  	(xrf0) =	vadd.scan.msk.s32 $0xffff, v8;
	s17 =	spop (v2sf)  }
0xba: {  	p0 =	sgt.f32 s17, $0.0e+00;
	_ =	sdelay $0x1  }
0xbb: {  	v8 =	vmov @p0 s22  }
0xbc: {  	s21 =	sadd.s32 $0x10, s21;
	v9 =	vmov @p0 s25;
	v8 =	vadd.s32 @p0 $0xFFFFFFFF, v8  }
0xbd: {  	v63 =	vld [tilespmem:s21+$0x0];
	v9 =	vmul.u32 @p0 $0x3, v9;
	v8 =	vbroadcast @p0 v8, $0x0  }
0xbe: {  	v12, _, _ =	vpop (xrf0);
	v11 =	vlaneseq.u32 @p0  }
0xbf: {  	v11 =	vmul.u32 @p0 $0x3, v11;
	v9 =	vbroadcast @p0 v9, $0x0;
	v8 =	vadd.s32 @p0 v12, v8;
	_ =	sdelay $0x1  }
0xc0: {  	s24 =	sadd.s32 $0x10, s24;
	v13 =	vadd.s32 @p0 v11, v9  }
0xc1: {  	v10 =	vnsel vm13, $0x7149F2CA, v63;
	[tilespmem:s24+$0x0] =	vst v7  }
0xc2: {  	[tilespmem:s23+$0x0] =	vst v10;
	s0 =	simm.s32 @p0 $0x10000  }
0xc3: {  	s1 =	simm.s32 @p0 $0x12000;
	[tilespmem:v8+s0+$0x0] =	vst.idx.msk @p0 vm0, v7  }
0xc4: {  	s0 =	simm.s32 @p0 $0x6000;
	[tilespmem:v8+s1+$0x0] =	vst.idx.msk @p0 vm0, v10  }
0xc5: {  	v7 =	vadd.s32 @p0 $0x1, v11;
	v10 =	vld.idx.msk @p0 [tilespmem:v13+s0+$0x0], vm0  }
0xc6: {  	v7 =	vadd.s32 @p0 v7, v9  }
0xc7: {  	(v2sf) =	vpush v12, $0xF;
	_ =	sdelay $0x1  }
0xc8: {  	s1 =	simm.s32 @p0 $0x14000  }
0xc9: {  	[tilespmem:v8+s1+$0x0] =	vst.idx.msk @p0 vm0, v10  }
0xca: {  	v10 =	vadd.s32 @p0 $0x2, v11;
	v7 =	vld.idx.msk @p0 [tilespmem:v7+s0+$0x0], vm0  }
0xcb: {  	v9 =	vadd.s32 @p0 v10, v9;
	_ =	sdelay $0x2  }
0xcc: {  	s1 =	simm.s32 @p0 $0x16000  }
0xcd: {  	[tilespmem:v8+s1+$0x0] =	vst.idx.msk @p0 vm0, v7  }
0xce: {  	v7 =	vld.idx.msk @p0 [tilespmem:v9+s0+$0x0], vm0;
	_ =	sdelay $0x3  }
0xcf: {  	s0 =	simm.s32 @p0 $0x18000  }
0xd0: {  	s26 =	simm.s32 $0x0;
	s25 =	spop (v2sf);
	[tilespmem:v8+s0+$0x0] =	vst.idx.msk @p0 vm0, v7  }
0xd1: {  	[hbm4b:s7+s26] =	stream.linear.scatter [tilespmem:s18], [sflag:$0x1], $0x2000, $0x38;
	[tilespmem:$0x1A000] =	vst v63  }
0xd2: {  	_ =	swait.ge [sflag:s16], $0x2000  }
0xd3: {  	[sflag:s16] =	ssyncset.done $0x0  }
0xd4: {  	[sflag:s16] =	ssyncadd.s32 $0xFFFFE000  }
0xd5: {  	[hbm4b:s8+s26] =	stream.linear.scatter [tilespmem:s19], [sflag:$0x1], $0x2000, $0x38;
	[tilespmem:$0x1A000] =	vst v63  }
0xd6: {  	_ =	swait.ge [sflag:s16], $0x2000  }
0xd7: {  	s21 =	sadd.s32 s22, s25;
	[sflag:s16] =	ssyncset.done $0x0  }
0xd8: {  	v7 =	vmov s21;
	[sflag:s16] =	ssyncadd.s32 $0xFFFFE000  }
0xd9: {  	[tilespmem:$0xC000] =	vst v7  }
0xda: {  	[hbm4b:s9+s26] =	stream.linear.scatter [tilespmem:s18], [sflag:$0x1], $0x10, $0x38;
	[tilespmem:$0x1A000] =	vst v63  }
0xdb: {  	p0 =	sle.s32 s21, $0x0;
	_ =	swait.ge [sflag:s16], $0x10  }
0xdc: {  	s0 =	simm.s32 $0x10000;
	s1 =	sadd.s32 @!p0 $0x0, s15;
	[sflag:s16] =	ssyncset.done $0x0  }
0xdd: {  	s29 =	simm.s32 @!p0 $0x2;
	s26 =	simm.s32 @!p0 $0x0;
	[sflag:s16] =	ssyncadd.s32 $0xFFFFFFF0  }
0xde: {  	[hbm4b:s1+s26] =	stream.linear.scatter @!p0 [tilespmem:s0], [sflag:$0x2], $0x400, $0x38;
	[tilespmem:$0x1A000] =	vst v63  }
0xdf: {  	_ =	swait.ge @!p0 [sflag:s29], $0x400  }
0xe0: {  	[sflag:s29] =	ssyncset.done @!p0 $0x0;
	p0 =	por p0, p0  }
0xe1: {  	s0 =	simm.s32 $0x12000;
	[sflag:s29] =	ssyncadd.s32 @!p0 $0xFFFFFC00;
	s1 =	sadd.s32 @!p0 $0x0, s14  }
0xe2: {  	[hbm4b:s1+s26] =	stream.linear.scatter @!p0 [tilespmem:s0], [sflag:$0x2], $0x400, $0x38;
	[tilespmem:$0x1A000] =	vst v63  }
0xe3: {  	_ =	swait.ge @!p0 [sflag:s29], $0x400  }
0xe4: {  	[sflag:s29] =	ssyncset.done @!p0 $0x0  }
0xe5: {  	s0 =	simm.s32 $0x14000;
	s1 =	sadd.s32 @!p0 $0x0, s13;
	[sflag:s29] =	ssyncadd.s32 @!p0 $0xFFFFFC00  }
0xe6: {  	[hbm4b:s1+s26] =	stream.linear.scatter @!p0 [tilespmem:s0], [sflag:$0x2], $0x400, $0x38;
	[tilespmem:$0x1A000] =	vst v63  }
0xe7: {  	s28 =	simm.s32 $0x100;
	s30 =	simm.s32 $0x400;
	_ =	swait.ge @!p0 [sflag:s29], $0x400  }
0xe8: {  	s24 =	simm.s32 $0x16400;
	s23 =	simm.s32 $0x18400;
	[sflag:s29] =	ssyncset.done @!p0 $0x0  }
0xe9: {  	s22 =	sadd.s32 @!p0 $0x0, s12;
	s0 =	simm.s32 $0x16000;
	[sflag:s29] =	ssyncadd.s32 @!p0 $0xFFFFFC00  }
0xea: {  	[hbm4b:s22+s26] =	stream.linear.scatter @!p0 [tilespmem:s0], [sflag:$0x2], $0x400, $0x38;
	[tilespmem:$0x1A000] =	vst v63  }
0xeb: {  	s25 =	simm.s32 $0x14400;
	p2 =	sle.s32 s21, $0x400;
	_ =	swait.ge @!p0 [sflag:s29], $0x400  }
0xec: {  	s31 =	simm.s32 @!p0 $0x1;
	s1 =	simm.s32 $0x18000;
	[sflag:s29] =	ssyncset.done @!p0 $0x0  }
0xed: {  	s22 =	simm.s32 $0x80;
	s0 =	sadd.s32 @!p0 $0x0, s11;
	[sflag:s29] =	ssyncadd.s32 @!p0 $0xFFFFFC00  }
0xee: {  	[hbm4b:s0+s26] =	stream.linear.scatter @!p0 [tilespmem:s1], [sflag:$0x1], $0x400, $0x38;
	[tilespmem:$0x1A000] =	vst v63  }
0xef: {  	s29 =	simm.s32 $0x10400;
	s26 =	simm.s32 $0x12400;
	_ =	swait.ge @!p0 [sflag:s31], $0x400  }
.LBB2_4:
0xf0: {  	s0 =	sadd.s32 @!p2 s22, s15;
	s1 =	simm.s32 @!p2 $0x0;
	[sflag:s31] =	ssyncset.done @!p0 $0x0  }
0xf1: {  	s17 =	smov.u32 s22;
	s22 =	smov.u32 s28;
	s4 =	smov.u32 s23  }
0xf2: {  	s28 =	sadd.s32 $0x80, s28;
	s5 =	simm.s32 @!p2 $0x2;
	[sflag:s31] =	ssyncadd.s32 @!p0 $0xFFFFFC00  }
0xf3: {  	[hbm4b:s0+s1] =	stream.linear.scatter @!p2 [tilespmem:s29], [sflag:$0x2], $0x400, $0x38;
	[tilespmem:$0x1A000] =	vst v63  }
0xf4: {  	p1 =	sne.s32 s28, $0x400;
	s0 =	smov.u32 s24;
	_ =	swait.ge @!p2 [sflag:s5], $0x400  }
0xf5: {  	p0 =	por p2, p2;
	[sflag:s5] =	ssyncset.done @!p2 $0x0  }
0xf6: {  	s31 =	sadd.s32 @!p0 s17, s14;
	[sflag:s5] =	ssyncadd.s32 @!p0 $0xFFFFFC00  }
0xf7: {  	[hbm4b:s31+s1] =	stream.linear.scatter @!p0 [tilespmem:s26], [sflag:$0x2], $0x400, $0x38;
	[tilespmem:$0x1A000] =	vst v63  }
0xf8: {  	_ =	swait.ge @!p0 [sflag:s5], $0x400  }
0xf9: {  	[sflag:s5] =	ssyncset.done @!p0 $0x0  }
0xfa: {  	s31 =	sadd.s32 @!p0 s17, s13;
	[sflag:s5] =	ssyncadd.s32 @!p0 $0xFFFFFC00  }
0xfb: {  	[hbm4b:s31+s1] =	stream.linear.scatter @!p0 [tilespmem:s25], [sflag:$0x2], $0x400, $0x38;
	[tilespmem:$0x1A000] =	vst v63  }
0xfc: {  	_ =	swait.ge @!p0 [sflag:s5], $0x400  }
0xfd: {  	s23 =	sadd.s32 $0x400, s23;
	[sflag:s5] =	ssyncset.done @!p0 $0x0  }
0xfe: {  	s24 =	sadd.s32 $0x400, s24;
	s31 =	sadd.s32 @!p0 s17, s12;
	[sflag:s5] =	ssyncadd.s32 @!p0 $0xFFFFFC00  }
0xff: {  	[hbm4b:s31+s1] =	stream.linear.scatter @!p0 [tilespmem:s0], [sflag:$0x2], $0x400, $0x38;
	[tilespmem:$0x1A000] =	vst v63  }
.Ltmp1:
0x100: {  	s25 =	sadd.s32 $0x400, s25;
	_ =	swait.ge @!p0 [sflag:s5], $0x400;
	(pc) =	sbr.rel @p1 .LBB2_4-.Ltmp1, $4  }
0x101: {  	s30 =	sadd.s32 $0x400, s30;
	s26 =	sadd.s32 $0x400, s26;
	[sflag:s5] =	ssyncset.done @!p0 $0x0  }
0x102: {  	s0 =	sadd.s32 @!p0 s17, s11;
	s31 =	simm.s32 @!p0 $0x1;
	[sflag:s5] =	ssyncadd.s32 @!p0 $0xFFFFFC00  }
0x103: {  	[hbm4b:s0+s1] =	stream.linear.scatter @!p0 [tilespmem:s4], [sflag:$0x1], $0x400, $0x38;
	[tilespmem:$0x1A000] =	vst v63  }
0x104: {  	s29 =	sadd.s32 $0x400, s29;
	p2 =	sge.s32 s30, s21;
	_ =	swait.ge @!p0 [sflag:s31], $0x400  }
0x105: {  	s0 =	sadd.s32 @!p2 s22, s15;
	[sflag:s31] =	ssyncset.done @!p0 $0x0  }
0x106: {  	s1 =	simm.s32 @!p2 $0x0;
	s4 =	simm.s32 @!p2 $0x2;
	[sflag:s31] =	ssyncadd.s32 @!p0 $0xFFFFFC00  }
0x107: {  	[hbm4b:s0+s1] =	stream.linear.scatter @!p2 [tilespmem:s29], [sflag:$0x2], $0x400, $0x38;
	[tilespmem:$0x1A000] =	vst v63  }
0x108: {  	_ =	swait.ge @!p2 [sflag:s4], $0x400  }
0x109: {  	p0 =	por p2, p2;
	[sflag:s4] =	ssyncset.done @!p2 $0x0  }
0x10a: {  	s0 =	sadd.s32 @!p0 s22, s14;
	[sflag:s4] =	ssyncadd.s32 @!p0 $0xFFFFFC00  }
0x10b: {  	[hbm4b:s0+s1] =	stream.linear.scatter @!p0 [tilespmem:s26], [sflag:$0x2], $0x400, $0x38;
	[tilespmem:$0x1A000] =	vst v63  }
0x10c: {  	_ =	swait.ge @!p0 [sflag:s4], $0x400  }
0x10d: {  	[sflag:s4] =	ssyncset.done @!p0 $0x0  }
0x10e: {  	s0 =	sadd.s32 @!p0 s22, s13;
	[sflag:s4] =	ssyncadd.s32 @!p0 $0xFFFFFC00  }
0x10f: {  	[hbm4b:s0+s1] =	stream.linear.scatter @!p0 [tilespmem:s25], [sflag:$0x2], $0x400, $0x38;
	[tilespmem:$0x1A000] =	vst v63  }
0x110: {  	_ =	swait.ge @!p0 [sflag:s4], $0x400  }
0x111: {  	[sflag:s4] =	ssyncset.done @!p0 $0x0  }
0x112: {  	s0 =	sadd.s32 @!p0 s22, s12;
	[sflag:s4] =	ssyncadd.s32 @!p0 $0xFFFFFC00  }
0x113: {  	[hbm4b:s0+s1] =	stream.linear.scatter @!p0 [tilespmem:s24], [sflag:$0x2], $0x400, $0x38;
	[tilespmem:$0x1A000] =	vst v63  }
0x114: {  	s20 =	sadd.s32 $0x1, s20;
	_ =	swait.ge @!p0 [sflag:s4], $0x400  }
0x115: {  	p1 =	sne.s32 s20, s10;
	s0 =	sadd.s32 @!p0 s22, s11;
	[sflag:s4] =	ssyncset.done @!p0 $0x0  }
.Ltmp2:
0x116: {  	[sflag:s4] =	ssyncadd.s32 @!p0 $0xFFFFFC00;
	s4 =	simm.s32 @!p0 $0x1;
	(pc) =	sbr.rel @p1 .LBB2_1-.Ltmp2, $4  }
0x117: {  	[hbm4b:s0+s1] =	stream.linear.scatter @!p0 [tilespmem:s23], [sflag:$0x1], $0x400, $0x38;
	[tilespmem:$0x1A000] =	vst v63  }
0x118: {  	_ =	swait.ge @!p0 [sflag:s4], $0x400  }
0x119: {  	[sflag:s4] =	ssyncset.done @!p0 $0x0  }
0x11a: {  	[sflag:s4] =	ssyncadd.s32 @!p0 $0xFFFFFC00  }
0x11b: {  	_ =	sfence.sel $0x180000  }
0x11c: {  	[bflag:$0x0] =	sbarrier.arrive $0xFFFF  }
0x11d: {  	_ =	strace $0x90000047  }
0x11e: {  	s0 =	stileid.u32;
	[bflag:$0x2] =	sbarrier.arrive $0xFFFF  }
0x11f: {  	p0 =	sne.s32 s0, $0x0;
	s0 =	rddreg [dreg:$0x2]  }
0x120: {  	s0 =	sadd.s32 @!p0 $0x100000, s0  }
0x121: {  	[sflag:s0] =	ssyncadd.tile.s32 @!p0 $0x1;
	_ =	shalt  }
.Lfunc_end2:
_tile_overlayer_lowered:
.L_overlay_start_2:
0x122: {  	(tag) =	ssettag $0x2  }
0x123: {  	s0 =	rddreg [dreg:$0x0];
	s2 =	stileid.u32  }
0x124: {  	s1 =	rddreg [dreg:$0x1];
	p0 =	sne.s32 s2, $0x0  }
0x125: {  	s3 =	rddreg [dreg:$0x2];
	[bflag:$0x3] =	sbarrier.arrive $0xFFFF;
	s2 =	simm.s32 @!p0 $0x1C01  }
0x126: {  	[timem:s3], [sflag:s2] =	dma.local @!p0 [hbm:s0], s1  }
0x127: {  	s0 =	simm.s32 @!p0 $0x1  }
0x128: {  	_ =	swait.ge @!p0 [sflag:s0], s1  }
0x129: {  	s1 =	ssub.s32 @!p0 $0x0, s1;
	[sflag:s0] =	ssyncset.done @!p0 $0x0  }
0x12a: {  	[sflag:s0] =	ssyncadd.s32 @!p0 s1  }
0x12b: {  	[bflag:$0x3] =	sbarrier.arrive $0xFFFF  }
0x12c: {  	_ =	shalt  }

// kernel: kernel.7.cloned.1.call-start
scs
__scs_entry_jumppad:
0x0: {  	(pc) =	sbr.rel $0x88, $3  }
0x1: {  	(tag) =	ssettag $0x0;
	lr =	simm.s32 $0x1  }
0x2: {  	[smem:$0x3F9E] =	sst lr;
	_ =	strace $0xD0000000  }
0x3: {  	_ = 	snop  }
0x4: {  	_ = 	snop  }
0x5: {  	_ = 	snop  }
0x6: {  	_ = 	snop  }
0x7: {  	_ = 	snop  }
__scs_overlays_trampoline_lowered:
0x8: {  	[smem:$0x3FAD] =	sst s0  }
0x9: {  	[smem:$0x3FAE] =	sst s1  }
0xa: {  	[smem:$0x3FAF] =	sst s2  }
0xb: {  	[smem:$0x3FB0] =	sst s3  }
0xc: {  	[smem:$0x3FB1] =	sst s4  }
0xd: {  	[smem:$0x3FB2] =	sst s5  }
0xe: {  	[smem:$0x3FB3] =	sst s6  }
0xf: {  	[smem:$0x3FB4] =	sst s7  }
0x10: {  	[smem:$0x3FB5] =	sst s8  }
0x11: {  	[smem:$0x3FB6] =	sst s9;
	s0 =	simm.s32 @!p0 $0x0  }
0x12: {  	s1 =	sld [smem:$0x3F9C];
	s0 =	simm.s32 @p0 $0x1  }
0x13: {  	[smem:$0x3FB7] =	sst s0;
	s0 =	simm.s32 @!p1 $0x0  }
0x14: {  	s2 =	sld [smem:$0x3F9B];
	s0 =	simm.s32 @p1 $0x1  }
0x15: {  	[smem:$0x3FB8] =	sst s0;
	s0 =	simm.s32 @!p2 $0x0  }
0x16: {  	s3 =	sld [smem:$0x3FDB];
	s0 =	simm.s32 @p2 $0x1  }
0x17: {  	s4 =	simm.s32 $0x1BF5;
	[smem:$0x3FBA] =	sst s0  }
0x18: {  	s0 =	sld [smem:$0x3F9D];
	_ =	swait.ge [sflag:s4], $0x0  }
0x19: {  	s7 =	sld [smem:$0x3F9E]  }
0x1a: {  	s8 =	sadd.s32 $0xFFFFE003, lr  }
0x1b: {  	s9 =	sadd.s32 $0xFFFFFEF7, lr;
	s5 =	simm.s32 $0xFFFFFFFF;
	p2 =	slt.u32 s8, $0xFFFFF086  }
0x1c: {  	p1 =	slt.u32 s9, $0xF7A;
	s5 =	simm.s32 @!p2 $0x0  }
0x1d: {  	s5 =	simm.s32 @p1 $0x1;
	p0 =	seq.s32 s7, s2  }
0x1e: {  	s7 =	smul.u32 @!p0 $0xF7A, s2;
	p2 =	seq.s32 @!p0 s5, $0x0  }
0x1f: {  	s9 =	smul.u32 $0xF7A, s1;
	s8 =	simm.s32 @!p0 $0x1BF5;
	p2 =	por !p2, p0  }
0x20: {  	[sflag:s8] =	ssyncset.s32 @!p0 $0xFFFFF086;
	s6 =	sadd.s32 @!p0 s3, s7;
	s7 =	simm.s32 @!p0 $0x108  }
0x21: {  	s3 =	sadd.s32 s3, s9;
	s6 =	sadd.s32 @!p0 $0x88, s6;
	s7 =	simm.s32 @p2 $0x1082  }
0x22: {  	[simem:s7], [sflag:s8] =	dma.local @!p0 [hbm:s6], $0xF7A  }
0x23: {  	s9 =	sor.u32 $0xD0000000, s2;
	s6 =	simm.s32 $0x108;
	_ =	swait.ge @!p0 [sflag:s8], $0x0  }
0x24: {  	s3 =	sadd.s32 $0x88, s3;
	s6 =	simm.s32 @!p1 $0x1082;
	[sflag:s4] =	ssyncset.s32 $0xFFFFF086  }
0x25: {  	[simem:s6], [sflag:s4] =	dma.local [hbm:s3], $0xF7A  }
0x26: {  	[smem:$0x3F9E] =	sst s1;
	(tag) =	ssettag s2;
	_ =	strace s9  }
0x27: {  	s1 =	sld [smem:$0x3FAE]  }
0x28: {  	s2 =	sld [smem:$0x3FAF]  }
0x29: {  	s4 =	sld [smem:$0x3FB1]  }
0x2a: {  	p0 =	seq.s32 s5, $0x0;
	s5 =	sld [smem:$0x3FB2]  }
0x2b: {  	s6 =	sld [smem:$0x3FB3]  }
0x2c: {  	s7 =	sld [smem:$0x3FB4]  }
0x2d: {  	s3 =	simm.s32 $0x108;
	s8 =	sld [smem:$0x3FB5]  }
0x2e: {  	s3 =	simm.s32 @!p0 $0x1082;
	s9 =	sld [smem:$0x3FB6]  }
0x2f: {  	lr =	sadd.s32 s0, s3;
	s0 =	sld [smem:$0x3FAD]  }
0x30: {  	s3 =	sld [smem:$0x3FB0]  }
0x31: {  	[smem:$0x3FB9] =	sst s10  }
0x32: {  	s10 =	sld [smem:$0x3FB7];
	_ =	sdelay $0x3  }
0x33: {  	p0 =	seq.s32 s10, $0x1;
	s10 =	sld [smem:$0x3FB9];
	_ =	sdelay $0x3  }
0x34: {  	[smem:$0x3FB9] =	sst s10  }
0x35: {  	s10 =	sld [smem:$0x3FB8];
	_ =	sdelay $0x3  }
0x36: {  	p1 =	seq.s32 s10, $0x1;
	s10 =	sld [smem:$0x3FB9];
	_ =	sdelay $0x3  }
0x37: {  	[smem:$0x3FB9] =	sst s10  }
0x38: {  	s10 =	sld [smem:$0x3FBA]  }
0x39: {  	_ = 	snop;
	(pc) =	sbr.ind lr, $3  }
0x3a: {  	_ = 	snop  }
0x3b: {  	_ = 	snop  }
0x3c: {  	p2 =	seq.s32 s10, $0x1;
	s10 =	sld [smem:$0x3FB9]  }
0x3d: {  	_ =	shalt  }
0x3e: {  	_ =	shalt  }
0x3f: {  	_ =	shalt  }
0x40: {  	_ =	shalt  }
0x41: {  	_ =	shalt  }
0x42: {  	_ =	shalt  }
0x43: {  	_ =	shalt  }
0x44: {  	_ =	shalt  }
0x45: {  	_ =	shalt  }
0x46: {  	_ =	shalt  }
0x47: {  	_ =	shalt  }
0x48: {  	_ =	shalt  }
0x49: {  	_ =	shalt  }
0x4a: {  	_ =	shalt  }
0x4b: {  	_ =	shalt  }
0x4c: {  	_ =	shalt  }
0x4d: {  	_ =	shalt  }
0x4e: {  	_ =	shalt  }
0x4f: {  	_ =	shalt  }
0x50: {  	_ =	shalt  }
0x51: {  	_ =	shalt  }
0x52: {  	_ =	shalt  }
0x53: {  	_ =	shalt  }
0x54: {  	_ =	shalt  }
0x55: {  	_ =	shalt  }
0x56: {  	_ =	shalt  }
0x57: {  	_ =	shalt  }
0x58: {  	_ =	shalt  }
0x59: {  	_ =	shalt  }
0x5a: {  	_ =	shalt  }
0x5b: {  	_ =	shalt  }
0x5c: {  	_ =	shalt  }
0x5d: {  	_ =	shalt  }
0x5e: {  	_ =	shalt  }
0x5f: {  	_ =	shalt  }
0x60: {  	_ =	shalt  }
0x61: {  	_ =	shalt  }
0x62: {  	_ =	shalt  }
0x63: {  	_ =	shalt  }
0x64: {  	_ =	shalt  }
0x65: {  	_ =	shalt  }
0x66: {  	_ =	shalt  }
0x67: {  	_ =	shalt  }
0x68: {  	_ =	shalt  }
0x69: {  	_ =	shalt  }
0x6a: {  	_ =	shalt  }
0x6b: {  	_ =	shalt  }
0x6c: {  	_ =	shalt  }
0x6d: {  	_ =	shalt  }
0x6e: {  	_ =	shalt  }
0x6f: {  	_ =	shalt  }
0x70: {  	_ =	shalt  }
0x71: {  	_ =	shalt  }
0x72: {  	_ =	shalt  }
0x73: {  	_ =	shalt  }
0x74: {  	_ =	shalt  }
0x75: {  	_ =	shalt  }
0x76: {  	_ =	shalt  }
0x77: {  	_ =	shalt  }
0x78: {  	_ =	shalt  }
0x79: {  	_ =	shalt  }
0x7a: {  	_ =	shalt  }
0x7b: {  	_ =	shalt  }
0x7c: {  	_ =	shalt  }
0x7d: {  	_ =	shalt  }
0x7e: {  	_ =	shalt  }
0x7f: {  	_ =	shalt  }
0x80: {  	_ =	shalt  }
0x81: {  	_ =	shalt  }
0x82: {  	_ =	shalt  }
0x83: {  	_ =	shalt  }
0x84: {  	_ =	shalt  }
0x85: {  	_ =	shalt  }
0x86: {  	_ =	shalt  }
0x87: {  	_ =	shalt  }
.Lfunc_end0:
.L_simem_size_0:
called_computation.1_lowered:
.L_overlay_start_0:
0x88: {  	s2 =	sld [smem:$0x3FD9]  }
0x89: {  	s3 =	sld [smem:$0x3FFE];
	_ =	sdelay $0x1  }
0x8a: {  	s1 =	srdreg.scid  }
0x8b: {  	s0 =	sand.u32 $0x1, s1  }
0x8c: {  	s17 =	sshll.u32 s0, $0xA;
	s2 =	sadd.s32 s3, s2  }
0x8d: {  	s2 =	sadd.s32 s2, s17  }
0x8e: {  	[smem:$0x3FC5] =	sst s2  }
0x8f: {  	_ = 	snop  }
0x90: {  	s2 =	sld [smem:$0x3FD0];
	(tm) =	ssettm $0x1  }
0x91: {  	s18 =	sld [smem:$0x3FFB];
	_ =	sdelay $0x3  }
0x92: {  	_ =	strace s18  }
0x93: {  	s3 =	sld [smem:$0x3FFC];
	_ =	sdelay $0x3  }
0x94: {  	_ =	strace s3  }
0x95: {  	s3 =	sld [smem:$0x3FFD];
	_ =	sdelay $0x3  }
0x96: {  	_ =	strace s3  }
0x97: {  	_ =	strace $0x8FFFFFFF  }
0x98: {  	s19 =	sld [smem:$0x3FDB];
	_ =	sdelay $0x1  }
0x99: {  	s4 =	simm.s32 $_scs_section_size  }
0x9a: {  	s5 =	simm.s32 $_size__tile_overlayer_lowered;
	s6 =	simm.s32 $_tile_overlayer_lowered  }
0x9b: {  	s22 =	simm.s32 $0x1BFF;
	s21 =	sshll.u32 s6, $0x1;
	s3 =	sadd.s32 s4, s19  }
0x9c: {  	s7 =	simm.s32 $0x0;
	s20 =	sshll.u32 s5, $0x1;
	s5 =	sadd.s32 s21, s3  }
0x9d: {  	[timem:s7], [sflag:s22] =	dma.local [hbm:s5], s20  }
0x9e: {  	_ =	swait.ge [sflag:s22], s20  }
0x9f: {  	s4 =	ssub.s32 $0x0, s20;
	[sflag:s22] =	ssyncset.done $0x0  }
0xa0: {  	[sflag:s22] =	ssyncadd.s32 s4;
	_ =	sdelay $0x1  }
0xa1: {  	s23 =	simm.s32 $0x1B8B  }
0xa2: {  	_ =	swait.ge [sflag:s23], $0x1  }
0xa3: {  	[sflag:s23] =	ssyncset.done $0x0  }
0xa4: {  	s25 =	simm.s32 $0x1B8E;
	s24 =	sld [smem:$0x3FFE];
	[sflag:s23] =	ssyncadd.s32 $0xFFFFFFFF  }
0xa5: {  	s26 =	simm.s32 $execute0_lowered;
	[smem:$0x3FD2] =	sst s25  }
0xa6: {  	s5 =	sshll.u32 s26, $0x1;
	_ =	strace $0x80000049;
	[dreg:$0x1] =	wrdreg $0xFFFFFFFF  }
0xa7: {  	s28 =	simm.s32 $_size_execute0_lowered;
	s3 =	sadd.s32 s3, s5;
	[dreg:$0x0] =	wrdreg $0x0  }
0xa8: {  	s5 =	sshll.u32 s28, $0x1;
	[dreg:$0x2] =	wrdreg s3  }
0xa9: {  	[dreg:$0x3] =	wrdreg s5  }
0xaa: {  	[dreg:$0x4] =	wrdreg $0xC0  }
0xab: {  	_ =	task [dreg:s7], $0x5FFFF  }
0xac: {  	[dreg:$0x1] =	wrdreg $0xFFFFFFFF  }
0xad: {  	[dreg:$0x0] =	wrdreg $0x60  }
0xae: {  	[dreg:$0x2] =	wrdreg s24  }
0xaf: {  	[dreg:$0x3] =	wrdreg s2  }
0xb0: {  	[dreg:$0x4] =	wrdreg $0x9  }
0xb1: {  	_ =	task.clear_ibuf [dreg:s7], $0x5FFFF;
	_ =	strace $0x90000049  }
0xb2: {  	s29 =	simm.s32 $0x9;
	_ =	strace $0x8000004B  }
0xb3: {  	_ =	swait.ge [sflag:s29], $0x1  }
0xb4: {  	[sflag:s29] =	ssyncadd.s32 $0xFFFFFFFF  }
0xb5: {  	_ =	strace $0x9000004B  }
0xb6: {  	_ =	sfence  }
0xb7: {  	s30 =	sld [smem:$0x0];
	_ =	sdelay $0x2  }
0xb8: {  	s31 =	sshll.u32 s1, $0xD;
	s1 =	sshrl.u32 s1, $0x2  }
0xb9: {  	s3 =	sand.u32 $0x4000, s31;
	s1 =	sadd.s32 s1, s30  }
0xba: {  	s0 =	sor.u32 s3, s0;
	s1 =	sshll.u32 s1, $0x11  }
0xbb: {  	s0 =	sor.u32 s1, s0  }
0xbc: {  	s0 =	sadd.s32 $0x8F2B, s0  }
0xbd: {  	[sflag:s0] =	ssyncadd.remote.s32 $0x1  }
0xbe: {  	_ =	sfence.sel $0xFFFF  }
0xbf: {  	[dreg:$0x0] =	wrdreg $0xFFFFFFFF;
	(pc) =	sbr.abs _section_cstart, $3  }
0xc0: {  	[dreg:$0x1] =	wrdreg $0xFFFFFFFF  }
0xc1: {  	_ =	task.clear_ibuf [dreg:s7], $0x2FFFF;
	_ =	strace $0x9FFFFFFF  }
0xc2: {  	(tm) =	ssettm $0x7FFFFFFF  }
0xc3: {  	_ =	shalt  }
tec
execute0_lowered:
.L_overlay_start_1:
0x0: {  	(tag) =	ssettag $0x1  }
0x1: {  	s0 =	rddreg [dreg:$0x0]  }
0x2: {  	s1 =	rddreg [dreg:$0x1];
	s2 =	simm.s32 $0x0;
	s8 =	srdreg.scid  }
0x3: {  	s3 =	stileid.u32;
	s16 =	simm.s32 $0x1;
	s17 =	simm.s32 $0x8200  }
0x4: {  	s20 =	simm.s32 $0xC600;
	s21 =	simm.s32 $0xCA00;
	s22 =	simm.s32 $0x2000  }
0x5: {  	s23 =	simm.s32 $0x0;
	[smem:$0x7FF] =	sst s2;
	s4 =	sadd.s32 $0x9000, s0  }
0x6: {  	s5 =	sadd.s32 $0x11000, s0;
	s6 =	sadd.s32 $0x19000, s0;
	s7 =	sadd.s32 $0x19200, s0  }
0x7: {  	s11 =	sand.u32 $0x1, s8;
	s10 =	sshll.u32 s3, $0x1;
	s8 =	sadd.s32 $0x21200, s0  }
0x8: {  	s9 =	sadd.s32 $0x29200, s0;
	_ =	strace $0x8000004A;
	s12 =	sor.u32 s11, s10  }
.Ltmp0:
0x9: {  	s10 =	sadd.s32 $0x31200, s0;
	s14 =	ssub.s32 $0x2, s11;
	(pc) =	sbr.rel .LBB2_1-.Ltmp0, $4  }
0xa: {  	s11 =	sadd.s32 $0x39200, s0;
	s13 =	smul.u32 $0xC00, s12;
	s15 =	sshrl.u32 s14, $0x1  }
0xb: {  	s18 =	sshll.u32 s12, $0xD;
	s12 =	sadd.s32 $0xFFFFFFFF, s12;
	s14 =	ssub.s32 s14, s15  }
0xc: {  	v2 =	vlaneseq.u32;
	v3 =	vimm.f32 $1.000000020e+30;
	s19 =	sadd.s32 $0x2000, s18;
	v0 =	vmov s18;
	s18 =	simm.s32 $0xA200;
	s0 =	sadd.s32 s13, s0  }
0xd: {  	v4 =	vimm.f32 $0.0e+00;
	v5 =	vmul.u32 $0x3, v2;
	s14 =	smax.u32 s14, $0x1;
	v1 =	vmov s19;
	s19 =	simm.s32 $0xC200;
	s13 =	sadd.s32 $0x41200, s0  }
.LBB2_32:
0xe: {  	s23 =	sadd.s32 $0x1, s23  }
0xf: {  	p0 =	sne.s32 s23, s14  }
.Ltmp1:
0x10: {  	_ = 	snop;
	(pc) =	sbr.rel @!p0 .LBB2_33-.Ltmp1, $4  }
0x11: {  	[hbm4b:s13+s2] =	stream.linear.scatter [tilespmem:s22], [sflag:$0x1], $0x6000, $0x38;
	[tilespmem:$0x12200] =	vst v63  }
0x12: {  	_ =	swait.ge [sflag:s16], $0x6000  }
0x13: {  	[sflag:s16] =	ssyncset.done $0x0  }
0x14: {  	[sflag:s16] =	ssyncadd.s32 $0xFFFFA000  }
.LBB2_1:
0x15: {  	s0 =	simm.s32 $0x8000  }
0x16: {  	[tilespmem:s0], [sflag:$0x1] =	stream.linear.gather [hbm4b:s6+s2], $0x200, $0x38;
	[tilespmem:$0x12200] =	vst v63  }
0x17: {  	_ =	swait.ge [sflag:s16], $0x200  }
0x18: {  	[sflag:s16] =	ssyncset.done $0x0  }
0x19: {  	s24 =	simm.s32 $0x0;
	s0 =	simm.s32 $0x40;
	[sflag:s16] =	ssyncadd.s32 $0xFFFFFE00  }
.LBB2_2:
0x1a: {  	p0 =	sne.s32 s0, $0x7FC0;
	[tilespmem:s24+$0x0] =	vst v3;
	s24 =	smov.u32 s0;
	s0 =	sadd.s32 $0x40, s0  }
.Ltmp2:
0x1b: {  	(pc) =	sbr.rel @p0 .LBB2_2-.Ltmp2, $2  }
0x1c: {  	_ =	sdelay $0x2  }
0x1d: {  	s24 =	sshra.s32 s24, $0x2  }
0x1e: {  	[tilespmem:s24+$0x0] =	vst v3;
	s25 =	simm.s32 $0x0;
	s0 =	simm.s32 $0x40;
	s24 =	simm.s32 $0x0  }
.LBB2_4:
0x1f: {  	p0 =	sne.s32 s0, $0x17FC0;
	[tilespmem:s24+$0x2000] =	vst v4;
	s24 =	smov.u32 s0;
	s0 =	sadd.s32 $0x40, s0  }
.Ltmp3:
0x20: {  	(pc) =	sbr.rel @p0 .LBB2_4-.Ltmp3, $2  }
0x21: {  	_ =	sdelay $0x2  }
0x22: {  	s24 =	sshra.s32 s24, $0x2  }
.Ltmp4:
0x23: {  	(pc) =	sbr.rel .LBB2_6-.Ltmp4, $2  }
0x24: {  	_ =	sdelay $0x2  }
0x25: {  	[tilespmem:s24+$0x2000] =	vst v4  }
.LBB2_11:
0x26: {  	s25 =	sadd.s32 $0x1, s25  }
0x27: {  	p0 =	sne.s32 s25, $0x3  }
.Ltmp5:
0x28: {  	_ = 	snop;
	(pc) =	sbr.rel @!p0 .LBB2_12-.Ltmp5, $2  }
0x29: {  	_ =	sdelay $0x2  }
0x2a: {  	s24 =	simm.s32 $0x0  }
.LBB2_6:
0x2b: {  	s0 =	sadd.s32 s25, s12  }
0x2c: {  	p0 =	sgt.u32 s0, $0x1F  }
.Ltmp6:
0x2d: {  	_ = 	snop;
	(pc) =	sbr.rel @p0 .LBB2_11-.Ltmp6, $1  }
0x2e: {  	_ =	sdelay $0x3  }
0x2f: {  	s24 =	sshll.u32 s0, $0xA  }
0x30: {  	s0 =	simm.s32 $0x0;
	s26 =	sadd.s32 s4, s24  }
0x31: {  	[tilespmem:s17], [sflag:$0x1] =	stream.linear.gather [hbm4b:s26+s0], $0x2000, $0x38;
	[tilespmem:$0x12200] =	vst v63  }
0x32: {  	_ =	swait.ge [sflag:s16], $0x2000  }
0x33: {  	[sflag:s16] =	ssyncset.done $0x0  }
.Ltmp7:
0x34: {  	s24 =	sadd.s32 s5, s24;
	[sflag:s16] =	ssyncadd.s32 $0xFFFFE000;
	(pc) =	sbr.rel .LBB2_8-.Ltmp7, $4  }
0x35: {  	[tilespmem:s18], [sflag:$0x1] =	stream.linear.gather [hbm4b:s24+s0], $0x2000, $0x38;
	[tilespmem:$0x12200] =	vst v63  }
0x36: {  	_ =	swait.ge [sflag:s16], $0x2000  }
0x37: {  	[sflag:s16] =	ssyncset.done $0x0  }
0x38: {  	[sflag:s16] =	ssyncadd.s32 $0xFFFFE000  }
.LBB2_10:
0x39: {  	s0 =	sadd.s32 $0x1, s0  }
0x3a: {  	p0 =	sne.s32 s0, $0x200  }
.Ltmp8:
0x3b: {  	_ = 	snop;
	(pc) =	sbr.rel @!p0 .LBB2_11-.Ltmp8, $1  }
0x3c: {  	_ =	sdelay $0x3  }
.LBB2_8:
0x3d: {  	s24 =	sshll.u32 s0, $0x4  }
0x3e: {  	v6 =	vld [tilespmem:s24+$0x8200];
	_ =	sdelay $0x4  }
0x3f: {  	vm0 =	vge.s32 v6, v0;
	vm1 =	vlt.s32 v6, v1  }
0x40: {  	vm0 =	vmand vm0, vm1  }
0x41: {  	v7 =	vsel vm0, $0x3F800000, v4  }
0x42: {  	(xrf0) =	vmax.scan.msk.f32 $0xffff, v7;
	_ =	sdelay $0x5  }
0x43: {  	v7, _, _ =	vpop (xrf0)  }
0x44: {  	(v2sf) =	vpush v7, $0xF;
	_ =	sdelay $0xe  }
0x45: {  	s26 =	spop (v2sf)  }
0x46: {  	p0 =	sgt.f32 s26, $0.0e+00;
	_ =	sdelay $0x1  }
0x47: {  	v6 =	vand.u32 @p0 $0x1FFF, v6;
	_ =	sdelay $0x3  }
0x48: {  	v7 =	vld [tilespmem:s24+$0xA200];
	s24 =	simm.s32 @p0 $0x0  }
0x49: {  	v8 =	vld.idx.msk @p0 [tilespmem:v6+s24+$0x0], vm0;
	_ =	sdelay $0x4  }
0x4a: {  	vm1 =	vlt.f32 @p0 v7, v8  }
0x4b: {  	v8 =	vimm.f32 @p0 $0.0e+00;
	vm0 =	vmand @p0 vm0, vm1  }
0x4c: {  	v8 =	vsel @p0 vm0, $0x3F800000, v8  }
0x4d: {  	(xrf0) =	vmax.scan.msk.f32 @p0 $0xffff, v8;
	_ =	sdelay $0x5  }
0x4e: {  	v8, _, _ =	vpop @p0 (xrf0)  }
0x4f: {  	(v2sf) =	vpush @p0 v8, $0xF;
	_ =	sdelay $0xe  }
0x50: {  	s24 =	spop @p0 (v2sf)  }
0x51: {  	p1 =	sgt.f32 @p0 s24, $0.0e+00;
	_ =	sdelay $0x1  }
0x52: {  	p0 =	por !p0, !p1  }
.Ltmp9:
0x53: {  	_ = 	snop;
	(pc) =	sbr.rel @p0 .LBB2_10-.Ltmp9, $1  }
0x54: {  	_ =	sdelay $0x3  }
.LBB2_9:
0x55: {  	[tilespmem:v6+s2+$0x0] =	vst.idx.msk vm0, v7  }
0x56: {  	v8 =	vld.idx.msk [tilespmem:v6+s2+$0x0], vm0;
	_ =	sdelay $0x4  }
0x57: {  	vm1 =	vlt.f32 v7, v8  }
0x58: {  	vm0 =	vmand vm0, vm1  }
0x59: {  	v8 =	vsel vm0, $0x3F800000, v4  }
0x5a: {  	(xrf0) =	vmax.scan.msk.f32 $0xffff, v8;
	_ =	sdelay $0x5  }
0x5b: {  	v8, _, _ =	vpop (xrf0)  }
0x5c: {  	(v2sf) =	vpush v8, $0xF;
	_ =	sdelay $0xe  }
0x5d: {  	s24 =	spop (v2sf)  }
0x5e: {  	p0 =	sgt.f32 s24, $0.0e+00  }
.Ltmp10:
0x5f: {  	_ = 	snop;
	(pc) =	sbr.rel @p0 .LBB2_9-.Ltmp10, $1  }
0x60: {  	_ =	sdelay $0x3  }
.Ltmp11:
0x61: {  	_ = 	snop;
	(pc) =	sbr.rel .LBB2_10-.Ltmp11, $1  }
0x62: {  	_ =	sdelay $0x3  }
.LBB2_19:
0x63: {  	s24 =	sadd.s32 $0x1, s24  }
0x64: {  	p0 =	sne.s32 s24, $0x20  }
.Ltmp12:
0x65: {  	_ = 	snop;
	(pc) =	sbr.rel @!p0 .LBB2_20-.Ltmp12, $1  }
0x66: {  	_ =	sdelay $0x3  }
.LBB2_12:
0x67: {  	s0 =	sshll.u32 s24, $0x4  }
0x68: {  	s0 =	sand.u32 $0x3FFFFFF0, s0  }
0x69: {  	v6 =	vld [tilespmem:s0+$0x8000];
	_ =	sdelay $0x4  }
0x6a: {  	v6 =	vxor.u32 $0x80000000, v6  }
0x6b: {  	(xrf0) =	vmax.scan.msk.u32 $0xffff, v6;
	_ =	sdelay $0x5  }
0x6c: {  	v6, _, _ =	vpop (xrf0)  }
0x6d: {  	(v2sf) =	vpush v6, $0xF;
	_ =	sdelay $0xc  }
.Ltmp13:
0x6e: {  	_ = 	snop;
	(pc) =	sbr.rel .LBB2_13-.Ltmp13, $4  }
0x6f: {  	_ = 	snop  }
0x70: {  	s31 =	spop (v2sf)  }
0x71: {  	s25 =	sxor.u32 $0x80000000, s31  }
0x72: {  	s26 =	sshll.u32 s24, $0xD;
	s28 =	simm.s32 $0x0;
	v6 =	vmov s25  }
.LBB2_18:
0x73: {  	s28 =	sadd.s32 $0x1, s28  }
0x74: {  	p0 =	sne.s32 s28, $0x8  }
.Ltmp14:
0x75: {  	_ = 	snop;
	(pc) =	sbr.rel @!p0 .LBB2_19-.Ltmp14, $1  }
0x76: {  	_ =	sdelay $0x3  }
.LBB2_13:
0x77: {  	s0 =	sshll.u32 s28, $0xA  }
0x78: {  	p0 =	sge.s32 s0, s25  }
.Ltmp15:
0x79: {  	_ = 	snop;
	(pc) =	sbr.rel @p0 .LBB2_18-.Ltmp15, $1  }
0x7a: {  	_ =	sdelay $0x3  }
0x7b: {  	s29 =	sadd.s32 s26, s0  }
0x7c: {  	s30 =	sshrl.u32 s29, $0x3  }
0x7d: {  	s29 =	simm.s32 $0x0;
	s31 =	sadd.s32 s7, s30  }
0x7e: {  	[tilespmem:s17], [sflag:$0x1] =	stream.linear.gather [hbm4b:s31+s29], $0x400, $0x38;
	[tilespmem:$0x12200] =	vst v63  }
0x7f: {  	_ =	swait.ge [sflag:s16], $0x400  }
0x80: {  	[sflag:s16] =	ssyncset.done $0x0  }
.Ltmp16:
0x81: {  	s30 =	sadd.s32 s8, s30;
	[sflag:s16] =	ssyncadd.s32 $0xFFFFFC00;
	(pc) =	sbr.rel .LBB2_15-.Ltmp16, $4  }
0x82: {  	[tilespmem:s18], [sflag:$0x1] =	stream.linear.gather [hbm4b:s30+s29], $0x400, $0x38;
	[tilespmem:$0x12200] =	vst v63  }
0x83: {  	_ =	swait.ge [sflag:s16], $0x400  }
0x84: {  	[sflag:s16] =	ssyncset.done $0x0  }
0x85: {  	[sflag:s16] =	ssyncadd.s32 $0xFFFFFC00  }
.LBB2_17:
0x86: {  	s29 =	sadd.s32 $0x1, s29  }
0x87: {  	p0 =	sne.s32 s29, $0x40  }
.Ltmp17:
0x88: {  	_ = 	snop;
	(pc) =	sbr.rel @!p0 .LBB2_18-.Ltmp17, $1  }
0x89: {  	_ =	sdelay $0x3  }
.LBB2_15:
0x8a: {  	s30 =	sshll.u32 s29, $0x4  }
0x8b: {  	v7 =	vld [tilespmem:s30+$0x8200];
	_ =	sdelay $0x2  }
0x8c: {  	s31 =	sor.u32 s0, s30  }
0x8d: {  	v8 =	vor.u32 s31, v2  }
0x8e: {  	vm0 =	vlt.s32 v8, v6;
	vm1 =	vlt.s32 v7, v1  }
0x8f: {  	vm2 =	vge.s32 v7, v0;
	vm0 =	vmand vm0, vm1  }
0x90: {  	vm0 =	vmand vm0, vm2  }
0x91: {  	v8 =	vsel vm0, $0x3F800000, v4  }
0x92: {  	(xrf0) =	vmax.scan.msk.f32 $0xffff, v8;
	_ =	sdelay $0x5  }
0x93: {  	v8, _, _ =	vpop (xrf0)  }
0x94: {  	(v2sf) =	vpush v8, $0xF;
	_ =	sdelay $0xe  }
0x95: {  	s15 =	spop (v2sf)  }
0x96: {  	p0 =	sgt.f32 s15, $0.0e+00;
	_ =	sdelay $0x1  }
0x97: {  	v7 =	vand.u32 @p0 $0x1FFF, v7;
	_ =	sdelay $0x3  }
0x98: {  	v8 =	vld [tilespmem:s30+$0xA200];
	s30 =	simm.s32 @p0 $0x0  }
0x99: {  	v9 =	vld.idx.msk @p0 [tilespmem:v7+s30+$0x0], vm0;
	_ =	sdelay $0x4  }
0x9a: {  	vm1 =	vlt.f32 @p0 v8, v9  }
0x9b: {  	v9 =	vimm.f32 @p0 $0.0e+00;
	vm0 =	vmand @p0 vm0, vm1  }
0x9c: {  	v9 =	vsel @p0 vm0, $0x3F800000, v9  }
0x9d: {  	(xrf0) =	vmax.scan.msk.f32 @p0 $0xffff, v9;
	_ =	sdelay $0x5  }
0x9e: {  	v9, _, _ =	vpop @p0 (xrf0)  }
0x9f: {  	(v2sf) =	vpush @p0 v9, $0xF;
	_ =	sdelay $0xe  }
0xa0: {  	s30 =	spop @p0 (v2sf)  }
0xa1: {  	p1 =	sgt.f32 @p0 s30, $0.0e+00;
	_ =	sdelay $0x1  }
0xa2: {  	p0 =	por !p0, !p1  }
.Ltmp18:
0xa3: {  	_ = 	snop;
	(pc) =	sbr.rel @p0 .LBB2_17-.Ltmp18, $1  }
0xa4: {  	_ =	sdelay $0x3  }
.LBB2_16:
0xa5: {  	[tilespmem:v7+s2+$0x0] =	vst.idx.msk vm0, v8  }
0xa6: {  	v9 =	vld.idx.msk [tilespmem:v7+s2+$0x0], vm0;
	_ =	sdelay $0x4  }
0xa7: {  	vm1 =	vlt.f32 v8, v9  }
0xa8: {  	vm0 =	vmand vm0, vm1  }
0xa9: {  	v9 =	vsel vm0, $0x3F800000, v4  }
0xaa: {  	(xrf0) =	vmax.scan.msk.f32 $0xffff, v9;
	_ =	sdelay $0x5  }
0xab: {  	v9, _, _ =	vpop (xrf0)  }
0xac: {  	(v2sf) =	vpush v9, $0xF;
	_ =	sdelay $0xe  }
0xad: {  	s30 =	spop (v2sf)  }
0xae: {  	p0 =	sgt.f32 s30, $0.0e+00  }
.Ltmp19:
0xaf: {  	_ = 	snop;
	(pc) =	sbr.rel @p0 .LBB2_16-.Ltmp19, $1  }
0xb0: {  	_ =	sdelay $0x3  }
.Ltmp20:
0xb1: {  	_ = 	snop;
	(pc) =	sbr.rel .LBB2_17-.Ltmp20, $1  }
0xb2: {  	_ =	sdelay $0x3  }
.LBB2_20:
.Ltmp21:
0xb3: {  	(pc) =	sbr.rel .LBB2_21-.Ltmp21, $2  }
0xb4: {  	_ =	sdelay $0x2  }
0xb5: {  	s24 =	simm.s32 $0x0  }
.LBB2_24:
0xb6: {  	_ =	sdelay $0x4  }
0xb7: {  	[tilespmem:v6+s0+$0x0] =	vst.idx.msk @!p1 vm0, v7  }
.LBB2_25:
0xb8: {  	s24 =	sadd.s32 $0x1, s24  }
0xb9: {  	p0 =	sne.s32 s24, $0x3  }
.Ltmp22:
0xba: {  	_ = 	snop;
	(pc) =	sbr.rel @!p0 .LBB2_26-.Ltmp22, $2  }
0xbb: {  	_ =	sdelay $0x2  }
0xbc: {  	s25 =	simm.s32 $0x0  }
.LBB2_21:
0xbd: {  	s0 =	sadd.s32 s24, s12  }
0xbe: {  	p0 =	sgt.u32 s0, $0x1F  }
.Ltmp23:
0xbf: {  	_ = 	snop;
	(pc) =	sbr.rel @p0 .LBB2_25-.Ltmp23, $1  }
0xc0: {  	_ =	sdelay $0x3  }
0xc1: {  	s26 =	sshll.u32 s0, $0xA  }
0xc2: {  	s29 =	simm.s32 $0x0;
	s25 =	simm.s32 $0x8200;
	s28 =	sadd.s32 s4, s26  }
0xc3: {  	[tilespmem:s25], [sflag:$0x1] =	stream.linear.gather [hbm4b:s28+s29], $0x2000, $0x38;
	[tilespmem:$0x12200] =	vst v63  }
0xc4: {  	_ =	swait.ge [sflag:s16], $0x2000  }
0xc5: {  	[sflag:s16] =	ssyncset.done $0x0  }
0xc6: {  	s28 =	sadd.s32 s5, s26;
	s26 =	simm.s32 $0xA200;
	[sflag:s16] =	ssyncadd.s32 $0xFFFFE000  }
0xc7: {  	[tilespmem:s26], [sflag:$0x1] =	stream.linear.gather [hbm4b:s28+s29], $0x2000, $0x38;
	[tilespmem:$0x12200] =	vst v63  }
0xc8: {  	s30 =	smul.u32 $0xC00, s0;
	_ =	swait.ge [sflag:s16], $0x2000  }
0xc9: {  	[sflag:s16] =	ssyncset.done $0x0  }
0xca: {  	s0 =	sadd.s32 s1, s30;
	[sflag:s16] =	ssyncadd.s32 $0xFFFFE000  }
0xcb: {  	[tilespmem:s19], [sflag:$0x1] =	stream.linear.gather [hbm4b:s0+s29], $0x6000, $0x38;
	[tilespmem:$0x12200] =	vst v63  }
0xcc: {  	_ =	swait.ge [sflag:s16], $0x6000  }
0xcd: {  	[sflag:s16] =	ssyncset.done $0x0  }
0xce: {  	[sflag:s16] =	ssyncadd.s32 $0xFFFFA000  }
0xcf: {  	v6 =	vld [tilespmem:s25+$0x0];
	_ =	sdelay $0x4  }
0xd0: {  	vm0 =	vge.s32 v6, v0;
	vm1 =	vlt.s32 v6, v1  }
0xd1: {  	vm0 =	vmand vm0, vm1  }
0xd2: {  	v7 =	vsel vm0, $0x3F800000, v4  }
0xd3: {  	(xrf0) =	vmax.scan.msk.f32 $0xffff, v7;
	_ =	sdelay $0x5  }
0xd4: {  	v7, _, _ =	vpop (xrf0)  }
0xd5: {  	(v2sf) =	vpush v7, $0xF;
	_ =	sdelay $0xe  }
0xd6: {  	s31 =	spop (v2sf)  }
0xd7: {  	p0 =	sgt.f32 s31, $0.0e+00;
	_ =	sdelay $0x1  }
0xd8: {  	v6 =	vand.u32 @p0 $0x1FFF, v6;
	_ =	sdelay $0x3  }
0xd9: {  	s0 =	simm.s32 @p0 $0x0;
	v8 =	vld @p0 [tilespmem:s26+$0x0]  }
0xda: {  	v7 =	vld.idx.msk @p0 [tilespmem:v6+s0+$0x0], vm0;
	_ =	sdelay $0x4  }
0xdb: {  	vm1 =	veq.f32 @p0 v8, v7  }
0xdc: {  	v7 =	vimm.f32 @p0 $0.0e+00;
	vm0 =	vmand @p0 vm0, vm1  }
0xdd: {  	v7 =	vsel @p0 vm0, $0x3F800000, v7  }
0xde: {  	(xrf0) =	vmax.scan.msk.f32 @p0 $0xffff, v7;
	_ =	sdelay $0x5  }
0xdf: {  	v7, _, _ =	vpop @p0 (xrf0)  }
0xe0: {  	(v2sf) =	vpush @p0 v7, $0xF;
	_ =	sdelay $0xb  }
0xe1: {  	v7 =	vmov s29  }
0xe2: {  	v7 =	vmul.u32 $0x3, v7;
	_ =	sdelay $0x1  }
0xe3: {  	v7 =	vbroadcast v7, $0x0;
	s0 =	spop @p0 (v2sf)  }
0xe4: {  	p1 =	sgt.f32 @p0 s0, $0.0e+00  }
0xe5: {  	v8 =	vadd.s32 v5, v7  }
0xe6: {  	p1 =	por !p1, !p0  }
0xe7: {  	v9 =	vlaneseq.u32 @!p1  }
0xe8: {  	v9 =	vmul.u32 @!p1 $0x3, v9  }
0xe9: {  	v6 =	vmul.u32 @!p1 $0x3, v6;
	s29 =	simm.s32 @!p1 $0xC200  }
0xea: {  	v8 =	vld.idx.msk @!p1 [tilespmem:v8+s29+$0x0], vm0;
	v10 =	vadd.s32 @!p1 $0x1, v9  }
0xeb: {  	v10 =	vadd.s32 @!p1 v10, v7;
	_ =	sdelay $0x2  }
0xec: {  	s0 =	simm.s32 @!p1 $0x2000  }
0xed: {  	[tilespmem:v6+s0+$0x0] =	vst.idx.msk @!p1 vm0, v8  }
0xee: {  	v9 =	vadd.s32 @!p1 $0x2, v9;
	v8 =	vadd.s32 @!p1 $0x1, v6;
	v10 =	vld.idx.msk @!p1 [tilespmem:v10+s29+$0x0], vm0  }
0xef: {  	v7 =	vadd.s32 @!p1 v9, v7;
	_ =	sdelay $0x3  }
0xf0: {  	[tilespmem:v8+s0+$0x0] =	vst.idx.msk @!p1 vm0, v10  }
0xf1: {  	v6 =	vadd.s32 @!p1 $0x2, v6;
	v7 =	vld.idx.msk @!p1 [tilespmem:v7+s29+$0x0], vm0;
	_ =	sdelay $0x2  }
0xf2: {  	s28 =	simm.s32 $0x10  }
.LBB2_23:
0xf3: {  	s25 =	sadd.s32 $0x10, s25  }
0xf4: {  	[tilespmem:v6+s0+$0x0] =	vst.idx.msk @!p1 vm0, v7;
	s26 =	sadd.s32 $0x10, s26;
	s29 =	smov.u32 s28;
	s28 =	sadd.s32 $0x10, s28  }
0xf5: {  	v6 =	vld [tilespmem:s25+$0x0];
	p0 =	sne.s32 s28, $0x2000;
	_ =	sdelay $0x4  }
0xf6: {  	vm0 =	vge.s32 v6, v0;
	vm1 =	vlt.s32 v6, v1  }
0xf7: {  	vm0 =	vmand vm0, vm1  }
0xf8: {  	v7 =	vsel vm0, $0x3F800000, v4  }
0xf9: {  	(xrf0) =	vmax.scan.msk.f32 $0xffff, v7;
	_ =	sdelay $0x5  }
0xfa: {  	v7, _, _ =	vpop (xrf0)  }
0xfb: {  	(v2sf) =	vpush v7, $0xF;
	_ =	sdelay $0xe  }
0xfc: {  	s0 =	spop (v2sf)  }
0xfd: {  	p1 =	sgt.f32 s0, $0.0e+00;
	_ =	sdelay $0x1  }
0xfe: {  	v6 =	vand.u32 @p1 $0x1FFF, v6;
	_ =	sdelay $0x3  }
0xff: {  	s0 =	simm.s32 @p1 $0x0  }
0x100: {  	v7 =	vld.idx.msk @p1 [tilespmem:v6+s0+$0x0], vm0  }
0x101: {  	v8 =	vld @p1 [tilespmem:s26+$0x0];
	_ =	sdelay $0x4  }
0x102: {  	vm1 =	veq.f32 @p1 v8, v7  }
0x103: {  	v7 =	vimm.f32 @p1 $0.0e+00;
	vm0 =	vmand @p1 vm0, vm1  }
0x104: {  	v7 =	vsel @p1 vm0, $0x3F800000, v7  }
0x105: {  	(xrf0) =	vmax.scan.msk.f32 @p1 $0xffff, v7;
	_ =	sdelay $0x5  }
0x106: {  	v7, _, _ =	vpop @p1 (xrf0)  }
0x107: {  	(v2sf) =	vpush @p1 v7, $0xF;
	_ =	sdelay $0xa  }
0x108: {  	v7 =	vmov s29  }
0x109: {  	v7 =	vmul.u32 $0x3, v7;
	_ =	sdelay $0x1  }
0x10a: {  	v7 =	vbroadcast v7, $0x0  }
0x10b: {  	s0 =	spop @p1 (v2sf)  }
0x10c: {  	v8 =	vadd.s32 v5, v7;
	p2 =	sgt.f32 @p1 s0, $0.0e+00;
	_ =	sdelay $0x1  }
0x10d: {  	p1 =	por !p2, !p1  }
0x10e: {  	v9 =	vmul.u32 @!p1 $0x3, v6;
	v6 =	vlaneseq.u32 @!p1  }
0x10f: {  	s29 =	simm.s32 @!p1 $0xC200;
	v10 =	vmul.u32 @!p1 $0x3, v6  }
0x110: {  	v8 =	vld.idx.msk @!p1 [tilespmem:v8+s29+$0x0], vm0;
	v11 =	vadd.s32 @!p1 $0x1, v9;
	v6 =	vadd.s32 @!p1 $0x2, v9  }
0x111: {  	v12 =	vadd.s32 @!p1 $0x1, v10;
	v10 =	vadd.s32 @!p1 $0x2, v10  }
0x112: {  	v12 =	vadd.s32 @!p1 v12, v7;
	v7 =	vadd.s32 @!p1 v10, v7;
	_ =	sdelay $0x2  }
0x113: {  	s0 =	simm.s32 @!p1 $0x2000  }
0x114: {  	[tilespmem:v9+s0+$0x0] =	vst.idx.msk @!p1 vm0, v8  }
0x115: {  	v8 =	vld.idx.msk @!p1 [tilespmem:v12+s29+$0x0], vm0;
	_ =	sdelay $0x2  }
.Ltmp24:
0x116: {  	(pc) =	sbr.rel @p0 .LBB2_23-.Ltmp24, $3  }
0x117: {  	_ =	sdelay $0x1  }
0x118: {  	[tilespmem:v11+s0+$0x0] =	vst.idx.msk @!p1 vm0, v8  }
0x119: {  	v7 =	vld.idx.msk @!p1 [tilespmem:v7+s29+$0x0], vm0  }
.Ltmp25:
0x11a: {  	_ = 	snop;
	(pc) =	sbr.rel .LBB2_24-.Ltmp25, $1  }
0x11b: {  	_ =	sdelay $0x3  }
.LBB2_31:
0x11c: {  	s25 =	sadd.s32 $0x1, s25  }
0x11d: {  	p0 =	sne.s32 s25, $0x20  }
.Ltmp26:
0x11e: {  	_ = 	snop;
	(pc) =	sbr.rel @!p0 .LBB2_32-.Ltmp26, $1  }
0x11f: {  	_ =	sdelay $0x3  }
.LBB2_26:
0x120: {  	s0 =	sshll.u32 s25, $0x4  }
0x121: {  	s0 =	sand.u32 $0x3FFFFFF0, s0  }
0x122: {  	v6 =	vld [tilespmem:s0+$0x8000];
	_ =	sdelay $0x4  }
0x123: {  	v6 =	vxor.u32 $0x80000000, v6  }
0x124: {  	(xrf0) =	vmax.scan.msk.u32 $0xffff, v6;
	_ =	sdelay $0x5  }
0x125: {  	v6, _, _ =	vpop (xrf0)  }
0x126: {  	(v2sf) =	vpush v6, $0xF;
	_ =	sdelay $0xc  }
.Ltmp27:
0x127: {  	_ = 	snop;
	(pc) =	sbr.rel .LBB2_27-.Ltmp27, $4  }
0x128: {  	_ = 	snop  }
0x129: {  	s31 =	spop (v2sf)  }
0x12a: {  	s24 =	sxor.u32 $0x80000000, s31  }
0x12b: {  	s26 =	sshll.u32 s25, $0xD;
	s28 =	simm.s32 $0x0;
	s29 =	simm.s32 $0x0;
	v6 =	vmov s24  }
.LBB2_30:
0x12c: {  	s29 =	sadd.s32 $0x1, s29  }
0x12d: {  	p0 =	sne.s32 s29, $0x8  }
.Ltmp28:
0x12e: {  	_ = 	snop;
	(pc) =	sbr.rel @!p0 .LBB2_31-.Ltmp28, $2  }
0x12f: {  	_ =	sdelay $0x2  }
0x130: {  	s28 =	sadd.s32 $0x400, s28  }
.LBB2_27:
0x131: {  	s0 =	sshll.u32 s29, $0xA  }
0x132: {  	p0 =	sge.s32 s0, s24  }
.Ltmp29:
0x133: {  	_ = 	snop;
	(pc) =	sbr.rel @p0 .LBB2_30-.Ltmp29, $1  }
0x134: {  	_ =	sdelay $0x3  }
0x135: {  	s0 =	sadd.s32 s26, s0  }
0x136: {  	s3 =	sshrl.u32 s0, $0x3  }
0x137: {  	s30 =	simm.s32 $0x0;
	s31 =	simm.s32 $0x8200;
	s0 =	sadd.s32 s7, s3  }
0x138: {  	[tilespmem:s31], [sflag:$0x1] =	stream.linear.gather [hbm4b:s0+s30], $0x400, $0x38;
	[tilespmem:$0x12200] =	vst v63  }
0x139: {  	_ =	swait.ge [sflag:s16], $0x400  }
0x13a: {  	[sflag:s16] =	ssyncset.done $0x0  }
0x13b: {  	s15 =	sadd.s32 s8, s3;
	s0 =	simm.s32 $0xA200;
	[sflag:s16] =	ssyncadd.s32 $0xFFFFFC00  }
0x13c: {  	[tilespmem:s0], [sflag:$0x1] =	stream.linear.gather [hbm4b:s15+s30], $0x400, $0x38;
	[tilespmem:$0x12200] =	vst v63  }
0x13d: {  	_ =	swait.ge [sflag:s16], $0x400  }
0x13e: {  	[sflag:s16] =	ssyncset.done $0x0  }
0x13f: {  	s15 =	sadd.s32 s9, s3;
	[sflag:s16] =	ssyncadd.s32 $0xFFFFFC00  }
0x140: {  	[tilespmem:s19], [sflag:$0x1] =	stream.linear.gather [hbm4b:s15+s30], $0x400, $0x38;
	[tilespmem:$0x12200] =	vst v63  }
0x141: {  	_ =	swait.ge [sflag:s16], $0x400  }
0x142: {  	[sflag:s16] =	ssyncset.done $0x0  }
0x143: {  	s15 =	sadd.s32 s10, s3;
	[sflag:s16] =	ssyncadd.s32 $0xFFFFFC00  }
0x144: {  	[tilespmem:s20], [sflag:$0x1] =	stream.linear.gather [hbm4b:s15+s30], $0x400, $0x38;
	[tilespmem:$0x12200] =	vst v63  }
0x145: {  	_ =	swait.ge [sflag:s16], $0x400  }
0x146: {  	[sflag:s16] =	ssyncset.done $0x0  }
0x147: {  	s3 =	sadd.s32 s11, s3;
	[sflag:s16] =	ssyncadd.s32 $0xFFFFFC00  }
0x148: {  	[tilespmem:s21], [sflag:$0x1] =	stream.linear.gather [hbm4b:s3+s30], $0x400, $0x38;
	[tilespmem:$0x12200] =	vst v63  }
0x149: {  	_ =	swait.ge [sflag:s16], $0x400  }
0x14a: {  	[sflag:s16] =	ssyncset.done $0x0  }
0x14b: {  	[sflag:s16] =	ssyncadd.s32 $0xFFFFFC00  }
.LBB2_29:
0x14c: {  	v7 =	vld [tilespmem:s31+$0x0];
	_ =	sdelay $0x2  }
0x14d: {  	s3 =	sadd.s32 s30, s28  }
0x14e: {  	v8 =	vor.u32 s3, v2  }
0x14f: {  	vm0 =	vlt.s32 v8, v6;
	vm1 =	vlt.s32 v7, v1  }
0x150: {  	vm2 =	vge.s32 v7, v0;
	vm0 =	vmand vm0, vm1  }
0x151: {  	vm0 =	vmand vm0, vm2  }
0x152: {  	v8 =	vsel vm0, $0x3F800000, v4  }
0x153: {  	(xrf0) =	vmax.scan.msk.f32 $0xffff, v8;
	_ =	sdelay $0x5  }
0x154: {  	v8, _, _ =	vpop (xrf0)  }
0x155: {  	(v2sf) =	vpush v8, $0xF;
	_ =	sdelay $0xe  }
0x156: {  	s15 =	spop (v2sf)  }
0x157: {  	p0 =	sgt.f32 s15, $0.0e+00;
	_ =	sdelay $0x1  }
0x158: {  	v7 =	vand.u32 @p0 $0x1FFF, v7;
	_ =	sdelay $0x3  }
0x159: {  	v8 =	vld @p0 [tilespmem:s0+$0x0];
	s3 =	simm.s32 @p0 $0x0  }
0x15a: {  	v9 =	vld.idx.msk @p0 [tilespmem:v7+s3+$0x0], vm0;
	_ =	sdelay $0x4  }
0x15b: {  	vm1 =	veq.f32 @p0 v8, v9  }
0x15c: {  	v8 =	vimm.f32 @p0 $0.0e+00;
	vm0 =	vmand @p0 vm0, vm1  }
0x15d: {  	v8 =	vsel @p0 vm0, $0x3F800000, v8  }
0x15e: {  	(xrf0) =	vmax.scan.msk.f32 @p0 $0xffff, v8;
	_ =	sdelay $0x5  }
0x15f: {  	v8, _, _ =	vpop @p0 (xrf0)  }
0x160: {  	(v2sf) =	vpush @p0 v8, $0xF;
	_ =	sdelay $0xe  }
0x161: {  	s3 =	spop @p0 (v2sf)  }
0x162: {  	p1 =	sgt.f32 @p0 s3, $0.0e+00;
	_ =	sdelay $0x1  }
0x163: {  	p0 =	por !p1, !p0  }
0x164: {  	v8 =	vlaneseq.u32 @!p0  }
0x165: {  	v9 =	vor.u32 @!p0 s30, v8;
	_ =	sdelay $0x3  }
0x166: {  	v7 =	vmul.u32 @!p0 $0x3, v7;
	s3 =	simm.s32 @!p0 $0xC200  }
0x167: {  	v10 =	vor.u32 @!p0 $0x400, v8;
	v9 =	vld.idx.msk @!p0 [tilespmem:v9+s3+$0x0], vm0  }
0x168: {  	v10 =	vor.u32 @!p0 s30, v10;
	_ =	sdelay $0x2  }
0x169: {  	s15 =	simm.s32 @!p0 $0x2000  }
0x16a: {  	[tilespmem:v7+s15+$0x0] =	vst.idx.msk @!p0 vm0, v9  }
0x16b: {  	v8 =	vor.u32 @!p0 $0x800, v8;
	v9 =	vld.idx.msk @!p0 [tilespmem:v10+s3+$0x0], vm0;
	v10 =	vadd.s32 @!p0 $0x1, v7  }
0x16c: {  	v8 =	vor.u32 @!p0 s30, v8;
	_ =	sdelay $0x3  }
0x16d: {  	s30 =	sadd.s32 $0x10, s30;
	[tilespmem:v10+s15+$0x0] =	vst.idx.msk @!p0 vm0, v9  }
0x16e: {  	p1 =	sne.s32 s30, $0x400;
	v7 =	vadd.s32 @!p0 $0x2, v7;
	v8 =	vld.idx.msk @!p0 [tilespmem:v8+s3+$0x0], vm0  }
.Ltmp30:
0x16f: {  	_ = 	snop;
	(pc) =	sbr.rel @p1 .LBB2_29-.Ltmp30, $2  }
0x170: {  	_ =	sdelay $0x2  }
0x171: {  	s31 =	sadd.s32 $0x10, s31;
	s0 =	sadd.s32 $0x10, s0;
	[tilespmem:v7+s15+$0x0] =	vst.idx.msk @!p0 vm0, v8  }
.Ltmp31:
0x172: {  	_ = 	snop;
	(pc) =	sbr.rel .LBB2_30-.Ltmp31, $1  }
0x173: {  	_ =	sdelay $0x3  }
.LBB2_33:
0x174: {  	_ =	sfence.sel $0x180000  }
0x175: {  	[bflag:$0x0] =	sbarrier.arrive $0xFFFF  }
0x176: {  	_ =	strace $0x9000004A  }
0x177: {  	s0 =	stileid.u32;
	[bflag:$0x2] =	sbarrier.arrive $0xFFFF  }
0x178: {  	p0 =	sne.s32 s0, $0x0;
	s0 =	rddreg [dreg:$0x2]  }
0x179: {  	s0 =	sadd.s32 @!p0 $0x100000, s0  }
0x17a: {  	[sflag:s0] =	ssyncadd.tile.s32 @!p0 $0x1;
	_ =	shalt  }
.Lfunc_end2:
_tile_overlayer_lowered:
.L_overlay_start_2:
0x17b: {  	(tag) =	ssettag $0x2  }
0x17c: {  	s0 =	rddreg [dreg:$0x0];
	s2 =	stileid.u32  }
0x17d: {  	s1 =	rddreg [dreg:$0x1];
	p0 =	sne.s32 s2, $0x0  }
0x17e: {  	s3 =	rddreg [dreg:$0x2];
	[bflag:$0x3] =	sbarrier.arrive $0xFFFF;
	s2 =	simm.s32 @!p0 $0x1C01  }
0x17f: {  	[timem:s3], [sflag:s2] =	dma.local @!p0 [hbm:s0], s1  }
0x180: {  	s0 =	simm.s32 @!p0 $0x1  }
0x181: {  	_ =	swait.ge @!p0 [sflag:s0], s1  }
0x182: {  	s1 =	ssub.s32 @!p0 $0x0, s1;
	[sflag:s0] =	ssyncset.done @!p0 $0x0  }
0x183: {  	[sflag:s0] =	ssyncadd.s32 @!p0 s1  }
0x184: {  	[bflag:$0x3] =	sbarrier.arrive $0xFFFF  }
0x185: {  	_ =	shalt  }

</sc_bundles>
